<compile_context>
chip_gen: v7x
topology: tpu7x:2x2x1
jax: 0.10.2.dev20260603
libtpu: 0.0.44.dev20260713+nightly
codegen_flags: <defaults>
</compile_context>

<pallas_src>
import functools

import jax
import jax.numpy as jnp
from jax import lax
from jax.experimental import pallas as pl
from jax.experimental.pallas import tpu as pltpu
from jax.experimental.pallas import tpu_sc as plsc

DIMS = 2048
HEAD = 32
MEMORY_SIZE = 64
THRESHOLD = 0.8
CTX = 4096
B = 4

SC_ROWS = 512
TC_ROWS = CTX - SC_ROWS
CHUNK = 256
NCHUNK = TC_ROWS // CHUNK

NW = 32
WPB = NW // B
RPW = SC_ROWS // WPB
CR = 16
NCOL = DIMS // 16


def _sc_reduce_body(x_ref, out_ref, buf0, buf1, acc, sem0, sem1):
    wid = lax.axis_index("s") * 2 + lax.axis_index("c")
    b = wid // WPB
    j = wid % WPB
    start = b * CTX + TC_ROWS + j * RPW
    bufs = (buf0, buf1)
    sems = (sem0, sem1)
    nchunks = RPW // CR
    pending = [None, None]

    def zero_col(i, _):
        acc[pl.ds(i * 16, 16)] = jnp.zeros((16,), jnp.float32)
        return 0

    pending[0] = pltpu.async_copy(x_ref.at[pl.ds(start, CR), :], buf0, sem0)
    lax.fori_loop(0, NCOL, zero_col, 0)

    for ci in range(nchunks):
        nxt = ci + 1
        if nxt < nchunks:
            pending[nxt % 2] = pltpu.async_copy(
                x_ref.at[pl.ds(start + nxt * CR, CR), :],
                bufs[nxt % 2],
                sems[nxt % 2],
            )
        pending[ci % 2].wait()
        buf = bufs[ci % 2]

        def col_loop(jc, _, buf=buf):
            v = acc[pl.ds(jc * 16, 16)]
            for r in range(CR):
                v = v + buf[r, pl.ds(jc * 16, 16)]
            acc[pl.ds(jc * 16, 16)] = v
            return 0

        lax.fori_loop(0, NCOL, col_loop, 0)

    pltpu.sync_copy(acc, out_ref.at[wid])


_sc_reduce = functools.partial(
    pl.kernel,
    out_type=jax.ShapeDtypeStruct((NW, DIMS), jnp.float32),
    mesh=plsc.VectorSubcoreMesh(core_axis_name="c", subcore_axis_name="s"),
    scratch_types=[
        pltpu.VMEM((CR, DIMS), jnp.float32),
        pltpu.VMEM((CR, DIMS), jnp.float32),
        pltpu.VMEM((DIMS,), jnp.float32),
        pltpu.SemaphoreType.DMA,
        pltpu.SemaphoreType.DMA,
    ],
)(_sc_reduce_body)


def _tc_reduce_body(x_ref, out_ref):
    k = pl.program_id(0)

    @pl.when(k == 0)
    def _init():
        out_ref[...] = jnp.zeros_like(out_ref)

    xb = x_ref[...].reshape(B, CHUNK // 8, 8, DIMS)
    out_ref[...] += jnp.sum(xb, axis=1)


def _final_body(tcacc_ref, scpart_ref, wp_ref, bp_ref, pat_ref, bias_ref, out_ref):
    total = jnp.sum(tcacc_ref[...], axis=1) + jnp.sum(
        scpart_ref[...].reshape(B, WPB, DIMS), axis=1
    )
    pooled = total * (1.0 / CTX)
    inp = (
        jnp.dot(pooled, wp_ref[...], preferred_element_type=jnp.float32)
        + bp_ref[...][None, :]
    )
    inorm = jnp.sqrt(jnp.sum(inp * inp, axis=1, keepdims=True))
    pat = pat_ref[...]
    pnorm = jnp.sqrt(jnp.sum(pat * pat, axis=1, keepdims=True))
    dots = jax.lax.dot_general(
        inp, pat, (((1,), (1,)), ((), ())),
        preferred_element_type=jnp.float32,
    )
    sims = dots / ((inorm + 1e-8) * (pnorm.T + 1e-8))
    score = jnp.max(sims, axis=1, keepdims=True)
    ids = jax.lax.broadcasted_iota(jnp.int32, sims.shape, 1)
    best = jnp.min(
        jnp.where(sims == score, ids, MEMORY_SIZE), axis=1, keepdims=True
    )
    onehot = (ids == best).astype(jnp.float32)
    sel = jnp.dot(onehot, bias_ref[...], preferred_element_type=jnp.float32)
    gate = jax.nn.sigmoid(score) > THRESHOLD
    out_ref[...] = jnp.where(gate, sel, jnp.zeros_like(sel))


@jax.jit
def kernel(x, xa, W_p, b_p, patterns, biases):
    del xa
    sc_part = _sc_reduce(x.reshape(B * CTX, DIMS))

    tc_acc = pl.pallas_call(
        _tc_reduce_body,
        grid=(NCHUNK,),
        in_specs=[pl.BlockSpec((B, CHUNK, DIMS), lambda k: (0, k, 0))],
        out_specs=pl.BlockSpec((B, 8, DIMS), lambda k: (0, 0, 0)),
        out_shape=jax.ShapeDtypeStruct((B, 8, DIMS), jnp.float32),
    )(x)

    out = pl.pallas_call(
        _final_body,
        out_shape=jax.ShapeDtypeStruct((B, HEAD), jnp.float32),
    )(tc_acc, sc_part, W_p, b_p, patterns, biases)
    return out

# --- scband reference (transcript-rebuilt; emitter-appended) ---
"""Pipeline reference for scband-biasing-gate-b-55679956025637 (READ-ONLY COPY).

The authoritative reference and input builder live on the scoring server;
editing this copy changes nothing except your own understanding.
"""

import jax, jax.numpy as jnp
import numpy as np

THETA = 30000.0
DIMS = 2048
HEAD = 32
MEMORY_SIZE = 64
THRESHOLD = 0.8


def sinusoids(ctx, dims, theta=THETA):
    tscales = jnp.exp(-jnp.log(jnp.float32(theta)) / (dims // 2 - 1) * jnp.arange(dims // 2, dtype=jnp.float32))
    scaled = jnp.arange(ctx, dtype=jnp.float32)[:, None] * tscales[None, :]
    return jnp.concatenate([jnp.sin(scaled), jnp.cos(scaled)], axis=1)


def setup_inputs(seed: int = 0) -> dict:
    key = jax.random.key(seed)
    k1, k2, k3, k4 = jax.random.split(key, 4)
    x = jax.random.normal(k1, (4, 4096, DIMS), dtype=jnp.float32)
    xa = jax.random.normal(k2, (4, 1500, DIMS), dtype=jnp.float32)
    W_p = jax.random.normal(k3, (DIMS, DIMS), dtype=jnp.float32) * (1.0 / np.sqrt(DIMS))
    b_p = jnp.zeros((DIMS,), dtype=jnp.float32)
    # memory key patterns: sinusoidal embeddings (one row per memory slot)
    patterns = sinusoids(MEMORY_SIZE, DIMS)
    # per-pattern gate bias over heads (stand-in for the stored OneShot bias weights)
    biases = jax.random.normal(k4, (MEMORY_SIZE, HEAD), dtype=jnp.float32) * 0.02
    return {"x": x, "xa": xa, "W_p": W_p, "b_p": b_p, "patterns": patterns, "biases": biases}


def reference(x, xa, W_p, b_p, patterns, biases):
    # input = p(x.mean(dim=1))  -> [B, dims]
    pooled = x.mean(axis=1)
    inp = pooled @ W_p + b_p
    # cosine similarity of each batch query against every memory pattern
    inp_n = inp / (jnp.linalg.norm(inp, axis=-1, keepdims=True) + 1e-8)
    pat_n = patterns / (jnp.linalg.norm(patterns, axis=-1, keepdims=True) + 1e-8)
    sims = inp_n @ pat_n.T  # [B, M]
    score = jnp.max(sims, axis=1)        # best similarity per batch element
    best_idx = jnp.argmax(sims, axis=1)  # codebook lookup index
    gating_value = jax.nn.sigmoid(score)  # [B]
    selected = jnp.take(biases, best_idx, axis=0)  # gather -> [B, head]
    out = jnp.where((gating_value > THRESHOLD)[:, None], selected, jnp.zeros_like(selected))
    return out

if __name__ == "__main__":
    import jax
    _d = setup_inputs()
    print(jax.jit(kernel)(*tuple(_d.values())))

</pallas_src>

<mosaic_0001>
#map = affine_map<(d0, d1) -> (0, 0)>
module attributes {stable_mosaic.version = 14 : i64} {
  func.func @_sc_reduce_body(%arg0: i32, %arg1: i32, %arg2: memref<16384x2048xf32, #tpu.memory_space<hbm>>, %arg3: memref<32x2048xf32, #tpu.memory_space<hbm>>, %arg4: memref<16x2048xf32, #tpu.memory_space<vmem>>, %arg5: memref<16x2048xf32, #tpu.memory_space<vmem>>, %arg6: memref<2048xf32, #tpu.memory_space<vmem>>, %arg7: memref<!tpu.dma_semaphore, #tpu.memory_space<semaphore_mem>>, %arg8: memref<!tpu.dma_semaphore, #tpu.memory_space<semaphore_mem>>) attributes {dimension_semantics = [#tpu.dimension_semantics<core_parallel>, #tpu.dimension_semantics<subcore_parallel>], iteration_bounds = array<i64: 2, 16>, scalar_prefetch = 0 : i64, scratch_operands = 5 : i64, tpu.core_type = #tpu.core_type<sc_vector_subcore>, window_params = [{transform_indices = #map}, {transform_indices = #map}]} {
    %mul3A = arith.constant 2 : i32
    %mul3A_0 = arith.muli %arg1, %mul3A : i32
    %add3A = arith.addi %mul3A_0, %arg0 : i32
    %jit3A = arith.constant 8 : i32
    %div3A = arith.divsi %add3A, %jit3A : i32
    %sign3A = arith.constant 0 : i32
    %sign3A_1 = arith.cmpi sgt, %add3A, %sign3A : i32
    %sign3A_2 = arith.extui %sign3A_1 : i1 to i32
    %sign3A_3 = arith.constant 0 : i32
    %sign3A_4 = arith.cmpi slt, %add3A, %sign3A_3 : i32
    %sign3A_5 = arith.extui %sign3A_4 : i1 to i32
    %sign3A_6 = arith.subi %sign3A_2, %sign3A_5 : i32
    %sign3A_7 = arith.constant 0 : i32
    %sign3A_8 = arith.cmpi sgt, %jit3A, %sign3A_7 : i32
    %sign3A_9 = arith.extui %sign3A_8 : i1 to i32
    %sign3A_10 = arith.constant 0 : i32
    %sign3A_11 = arith.cmpi slt, %jit3A, %sign3A_10 : i32
    %sign3A_12 = arith.extui %sign3A_11 : i1 to i32
    %sign3A_13 = arith.subi %sign3A_9, %sign3A_12 : i32
    %ne3A = arith.cmpi ne, %sign3A_6, %sign3A_13 : i32
    %rem3A = arith.remsi %add3A, %jit3A : i32
    %ne3A_14 = arith.constant 0 : i32
    %ne3A_15 = arith.cmpi ne, %rem3A, %ne3A_14 : i32
    %and3A = arith.andi %ne3A, %ne3A_15 : i1
    %sub3A = arith.constant 1 : i32
    %sub3A_16 = arith.subi %div3A, %sub3A : i32
    %select_n3A = arith.select %and3A, %sub3A_16, %div3A : i32
    %jit3A_17 = arith.constant 8 : i32
    %eq3A = arith.constant 0 : i32
    %eq3A_18 = arith.cmpi eq, %jit3A_17, %eq3A : i32
    %jit3A_19 = arith.constant 1 : i32
    %select_n3A_20 = arith.select %eq3A_18, %jit3A_19, %jit3A_17 : i32
    %rem3A_21 = arith.remsi %add3A, %select_n3A_20 : i32
    %ne3A_22 = arith.constant 0 : i32
    %ne3A_23 = arith.cmpi ne, %rem3A_21, %ne3A_22 : i32
    %lt3A = arith.constant 0 : i32
    %lt3A_24 = arith.cmpi slt, %rem3A_21, %lt3A : i32
    %lt3A_25 = arith.constant 0 : i32
    %lt3A_26 = arith.cmpi slt, %select_n3A_20, %lt3A_25 : i32
    %ne3A_27 = arith.xori %lt3A_24, %lt3A_26 : i1
    %and3A_28 = arith.andi %ne3A_27, %ne3A_23 : i1
    %add3A_29 = arith.addi %rem3A_21, %select_n3A_20 : i32
    %select_n3A_30 = arith.select %and3A_28, %add3A_29, %rem3A_21 : i32
    %mul3A_31 = arith.constant 4096 : i32
    %mul3A_32 = arith.muli %select_n3A, %mul3A_31 : i32
    %add3A_33 = arith.constant 3584 : i32
    %add3A_34 = arith.addi %mul3A_32, %add3A_33 : i32
    %mul3A_35 = arith.constant 64 : i32
    %mul3A_36 = arith.muli %select_n3A_30, %mul3A_35 : i32
    %add3A_37 = arith.addi %add3A_34, %mul3A_36 : i32
    %dma_start3A = arith.constant 0 : i32
    %dma_start3A_38 = tpu.memref_slice %arg2[%add3A_37, %dma_start3A] : memref<16384x2048xf32, #tpu.memory_space<hbm>> -> memref<16x2048xf32, #tpu.memory_space<hbm>>
    %dma_start3A_39 = arith.constant 0 : i32
    %dma_start3A_40 = tpu.memref_slice %arg2[%add3A_37, %dma_start3A_39] : memref<16384x2048xf32, #tpu.memory_space<hbm>> -> memref<16x2048xf32, #tpu.memory_space<hbm>>
    tpu.enqueue_dma source(%dma_start3A_40 : memref<16x2048xf32, #tpu.memory_space<hbm>>) target(%arg4 : memref<16x2048xf32, #tpu.memory_space<vmem>>) target_semaphore(%arg7 : memref<!tpu.dma_semaphore, #tpu.memory_space<semaphore_mem>>)
    %scan3A = arith.constant 0 : i32
    %scan3A_41 = arith.constant 0 : i32
    %scan3A_42 = arith.constant 128 : i32
    %scan3A_43 = arith.addi %scan3A_41, %scan3A_42 : i32
    %scan3A_44 = arith.constant 1 : i32
    %scan3A_45 = scf.for %scan3A_108 = %scan3A_41 to %scan3A_43 step %scan3A_44 iter_args(%scan3A_109 = %scan3A) -> (i32)  : i32 {
      %broadcast_in_dim3A = arith.constant 0.000000e+00 : f32
      %broadcast_in_dim3A_110 = vector.broadcast %broadcast_in_dim3A : f32 to vector<16xf32>
      %mul3A_111 = arith.constant 16 : i32
      %mul3A_112 = arith.muli %scan3A_108, %mul3A_111 : i32
      %swap3A = arith.index_cast %mul3A_112 : i32 to index
      %swap3A_113 = tpu.vector_load %arg6[%swap3A] {strides = array<i32>} : memref<2048xf32, #tpu.memory_space<vmem>>, vector<16xf32>,
      %swap3A_114 = vector.shape_cast %swap3A_113 : vector<16xf32> to vector<16xf32>
      %swap3A_115 = vector.shape_cast %broadcast_in_dim3A_110 : vector<16xf32> to vector<16xf32>
      tpu.vector_store %arg6[%swap3A], %swap3A_115 {strides = array<i32>} : memref<2048xf32, #tpu.memory_space<vmem>>, vector<16xf32>,
      %scan3A_116 = arith.constant 0 : i32
      scf.yield %scan3A_116 : i32
    }
    %scan3A_46 = arith.constant 128 : i32
    %add3A_47 = arith.constant 16 : i32
    %add3A_48 = arith.addi %add3A_37, %add3A_47 : i32
    %dma_start3A_49 = arith.constant 0 : i32
    %dma_start3A_50 = tpu.memref_slice %arg2[%add3A_48, %dma_start3A_49] : memref<16384x2048xf32, #tpu.memory_space<hbm>> -> memref<16x2048xf32, #tpu.memory_space<hbm>>
    %dma_start3A_51 = arith.constant 0 : i32
    %dma_start3A_52 = tpu.memref_slice %arg2[%add3A_48, %dma_start3A_51] : memref<16384x2048xf32, #tpu.memory_space<hbm>> -> memref<16x2048xf32, #tpu.memory_space<hbm>>
    tpu.enqueue_dma source(%dma_start3A_52 : memref<16x2048xf32, #tpu.memory_space<hbm>>) target(%arg5 : memref<16x2048xf32, #tpu.memory_space<vmem>>) target_semaphore(%arg8 : memref<!tpu.dma_semaphore, #tpu.memory_space<semaphore_mem>>)
    %dma_wait3A = arith.constant 0 : i32
    %dma_wait3A_53 = tpu.memref_slice %arg2[%add3A_37, %dma_wait3A] : memref<16384x2048xf32, #tpu.memory_space<hbm>> -> memref<16x2048xf32, #tpu.memory_space<hbm>>
    %dma_wait3A_54 = arith.constant 0 : i32
    %dma_wait3A_55 = tpu.memref_slice %arg2[%add3A_37, %dma_wait3A_54] : memref<16384x2048xf32, #tpu.memory_space<hbm>> -> memref<16x2048xf32, #tpu.memory_space<hbm>>
    tpu.wait_dma2 semaphore(%arg7 : memref<!tpu.dma_semaphore, #tpu.memory_space<semaphore_mem>>) src(%dma_wait3A_55 : memref<16x2048xf32, #tpu.memory_space<hbm>>) dst(%arg4 : memref<16x2048xf32, #tpu.memory_space<vmem>>)
    %scan3A_56 = arith.constant 0 : i32
    %scan3A_57 = arith.constant 0 : i32
    %scan3A_58 = arith.constant 128 : i32
    %scan3A_59 = arith.addi %scan3A_57, %scan3A_58 : i32
    %scan3A_60 = arith.constant 1 : i32
    %scan3A_61 = scf.for %scan3A_108 = %scan3A_57 to %scan3A_59 step %scan3A_60 iter_args(%scan3A_109 = %scan3A_56) -> (i32)  : i32 {
      %mul3A_110 = arith.constant 16 : i32
      %mul3A_111 = arith.muli %scan3A_108, %mul3A_110 : i32
      %get3A = arith.index_cast %mul3A_111 : i32 to index
      %get3A_112 = tpu.vector_load %arg6[%get3A] {strides = array<i32>} : memref<2048xf32, #tpu.memory_space<vmem>>, vector<16xf32>,
      %get3A_113 = vector.shape_cast %get3A_112 : vector<16xf32> to vector<16xf32>
      %mul3A_114 = arith.constant 16 : i32
      %mul3A_115 = arith.muli %scan3A_108, %mul3A_114 : i32
      %get3A_116 = arith.constant 0 : i32
      %get3A_117 = arith.index_cast %get3A_116 : i32 to index
      %get3A_118 = arith.index_cast %mul3A_115 : i32 to index
      %get3A_119 = tpu.vector_load %arg4[%get3A_117, %get3A_118] {strides = array<i32>} : memref<16x2048xf32, #tpu.memory_space<vmem>>, vector<1x16xf32>,
      %get3A_120 = vector.shape_cast %get3A_119 : vector<1x16xf32> to vector<16xf32>
      %add3A_121 = arith.addf %get3A_113, %get3A_120 : vector<16xf32>
      %mul3A_122 = arith.constant 16 : i32
      %mul3A_123 = arith.muli %scan3A_108, %mul3A_122 : i32
      %get3A_124 = arith.constant 1 : i32
      %get3A_125 = arith.index_cast %get3A_124 : i32 to index
      %get3A_126 = arith.index_cast %mul3A_123 : i32 to index
      %get3A_127 = tpu.vector_load %arg4[%get3A_125, %get3A_126] {strides = array<i32>} : memref<16x2048xf32, #tpu.memory_space<vmem>>, vector<1x16xf32>,
      %get3A_128 = vector.shape_cast %get3A_127 : vector<1x16xf32> to vector<16xf32>
      %add3A_129 = arith.addf %add3A_121, %get3A_128 : vector<16xf32>
      %mul3A_130 = arith.constant 16 : i32
      %mul3A_131 = arith.muli %scan3A_108, %mul3A_130 : i32
      %get3A_132 = arith.constant 2 : i32
      %get3A_133 = arith.index_cast %get3A_132 : i32 to index
      %get3A_134 = arith.index_cast %mul3A_131 : i32 to index
      %get3A_135 = tpu.vector_load %arg4[%get3A_133, %get3A_134] {strides = array<i32>} : memref<16x2048xf32, #tpu.memory_space<vmem>>, vector<1x16xf32>,
      %get3A_136 = vector.shape_cast %get3A_135 : vector<1x16xf32> to vector<16xf32>
      %add3A_137 = arith.addf %add3A_129, %get3A_136 : vector<16xf32>
      %mul3A_138 = arith.constant 16 : i32
      %mul3A_139 = arith.muli %scan3A_108, %mul3A_138 : i32
      %get3A_140 = arith.constant 3 : i32
      %get3A_141 = arith.index_cast %get3A_140 : i32 to index
      %get3A_142 = arith.index_cast %mul3A_139 : i32 to index
      %get3A_143 = tpu.vector_load %arg4[%get3A_141, %get3A_142] {strides = array<i32>} : memref<16x2048xf32, #tpu.memory_space<vmem>>, vector<1x16xf32>,
      %get3A_144 = vector.shape_cast %get3A_143 : vector<1x16xf32> to vector<16xf32>
      %add3A_145 = arith.addf %add3A_137, %get3A_144 : vector<16xf32>
      %mul3A_146 = arith.constant 16 : i32
      %mul3A_147 = arith.muli %scan3A_108, %mul3A_146 : i32
      %get3A_148 = arith.constant 4 : i32
      %get3A_149 = arith.index_cast %get3A_148 : i32 to index
      %get3A_150 = arith.index_cast %mul3A_147 : i32 to index
      %get3A_151 = tpu.vector_load %arg4[%get3A_149, %get3A_150] {strides = array<i32>} : memref<16x2048xf32, #tpu.memory_space<vmem>>, vector<1x16xf32>,
      %get3A_152 = vector.shape_cast %get3A_151 : vector<1x16xf32> to vector<16xf32>
      %add3A_153 = arith.addf %add3A_145, %get3A_152 : vector<16xf32>
      %mul3A_154 = arith.constant 16 : i32
      %mul3A_155 = arith.muli %scan3A_108, %mul3A_154 : i32
      %get3A_156 = arith.constant 5 : i32
      %get3A_157 = arith.index_cast %get3A_156 : i32 to index
      %get3A_158 = arith.index_cast %mul3A_155 : i32 to index
      %get3A_159 = tpu.vector_load %arg4[%get3A_157, %get3A_158] {strides = array<i32>} : memref<16x2048xf32, #tpu.memory_space<vmem>>, vector<1x16xf32>,
      %get3A_160 = vector.shape_cast %get3A_159 : vector<1x16xf32> to vector<16xf32>
      %add3A_161 = arith.addf %add3A_153, %get3A_160 : vector<16xf32>
      %mul3A_162 = arith.constant 16 : i32
      %mul3A_163 = arith.muli %scan3A_108, %mul3A_162 : i32
      %get3A_164 = arith.constant 6 : i32
      %get3A_165 = arith.index_cast %get3A_164 : i32 to index
      %get3A_166 = arith.index_cast %mul3A_163 : i32 to index
      %get3A_167 = tpu.vector_load %arg4[%get3A_165, %get3A_166] {strides = array<i32>} : memref<16x2048xf32, #tpu.memory_space<vmem>>, vector<1x16xf32>,
      %get3A_168 = vector.shape_cast %get3A_167 : vector<1x16xf32> to vector<16xf32>
      %add3A_169 = arith.addf %add3A_161, %get3A_168 : vector<16xf32>
      %mul3A_170 = arith.constant 16 : i32
      %mul3A_171 = arith.muli %scan3A_108, %mul3A_170 : i32
      %get3A_172 = arith.constant 7 : i32
      %get3A_173 = arith.index_cast %get3A_172 : i32 to index
      %get3A_174 = arith.index_cast %mul3A_171 : i32 to index
      %get3A_175 = tpu.vector_load %arg4[%get3A_173, %get3A_174] {strides = array<i32>} : memref<16x2048xf32, #tpu.memory_space<vmem>>, vector<1x16xf32>,
      %get3A_176 = vector.shape_cast %get3A_175 : vector<1x16xf32> to vector<16xf32>
      %add3A_177 = arith.addf %add3A_169, %get3A_176 : vector<16xf32>
      %mul3A_178 = arith.constant 16 : i32
      %mul3A_179 = arith.muli %scan3A_108, %mul3A_178 : i32
      %get3A_180 = arith.constant 8 : i32
      %get3A_181 = arith.index_cast %get3A_180 : i32 to index
      %get3A_182 = arith.index_cast %mul3A_179 : i32 to index
      %get3A_183 = tpu.vector_load %arg4[%get3A_181, %get3A_182] {strides = array<i32>} : memref<16x2048xf32, #tpu.memory_space<vmem>>, vector<1x16xf32>,
      %get3A_184 = vector.shape_cast %get3A_183 : vector<1x16xf32> to vector<16xf32>
      %add3A_185 = arith.addf %add3A_177, %get3A_184 : vector<16xf32>
      %mul3A_186 = arith.constant 16 : i32
      %mul3A_187 = arith.muli %scan3A_108, %mul3A_186 : i32
      %get3A_188 = arith.constant 9 : i32
      %get3A_189 = arith.index_cast %get3A_188 : i32 to index
      %get3A_190 = arith.index_cast %mul3A_187 : i32 to index
      %get3A_191 = tpu.vector_load %arg4[%get3A_189, %get3A_190] {strides = array<i32>} : memref<16x2048xf32, #tpu.memory_space<vmem>>, vector<1x16xf32>,
      %get3A_192 = vector.shape_cast %get3A_191 : vector<1x16xf32> to vector<16xf32>
      %add3A_193 = arith.addf %add3A_185, %get3A_192 : vector<16xf32>
      %mul3A_194 = arith.constant 16 : i32
      %mul3A_195 = arith.muli %scan3A_108, %mul3A_194 : i32
      %get3A_196 = arith.constant 10 : i32
      %get3A_197 = arith.index_cast %get3A_196 : i32 to index
      %get3A_198 = arith.index_cast %mul3A_195 : i32 to index
      %get3A_199 = tpu.vector_load %arg4[%get3A_197, %get3A_198] {strides = array<i32>} : memref<16x2048xf32, #tpu.memory_space<vmem>>, vector<1x16xf32>,
      %get3A_200 = vector.shape_cast %get3A_199 : vector<1x16xf32> to vector<16xf32>
      %add3A_201 = arith.addf %add3A_193, %get3A_200 : vector<16xf32>
      %mul3A_202 = arith.constant 16 : i32
      %mul3A_203 = arith.muli %scan3A_108, %mul3A_202 : i32
      %get3A_204 = arith.constant 11 : i32
      %get3A_205 = arith.index_cast %get3A_204 : i32 to index
      %get3A_206 = arith.index_cast %mul3A_203 : i32 to index
      %get3A_207 = tpu.vector_load %arg4[%get3A_205, %get3A_206] {strides = array<i32>} : memref<16x2048xf32, #tpu.memory_space<vmem>>, vector<1x16xf32>,
      %get3A_208 = vector.shape_cast %get3A_207 : vector<1x16xf32> to vector<16xf32>
      %add3A_209 = arith.addf %add3A_201, %get3A_208 : vector<16xf32>
      %mul3A_210 = arith.constant 16 : i32
      %mul3A_211 = arith.muli %scan3A_108, %mul3A_210 : i32
      %get3A_212 = arith.constant 12 : i32
      %get3A_213 = arith.index_cast %get3A_212 : i32 to index
      %get3A_214 = arith.index_cast %mul3A_211 : i32 to index
      %get3A_215 = tpu.vector_load %arg4[%get3A_213, %get3A_214] {strides = array<i32>} : memref<16x2048xf32, #tpu.memory_space<vmem>>, vector<1x16xf32>,
      %get3A_216 = vector.shape_cast %get3A_215 : vector<1x16xf32> to vector<16xf32>
      %add3A_217 = arith.addf %add3A_209, %get3A_216 : vector<16xf32>
      %mul3A_218 = arith.constant 16 : i32
      %mul3A_219 = arith.muli %scan3A_108, %mul3A_218 : i32
      %get3A_220 = arith.constant 13 : i32
      %get3A_221 = arith.index_cast %get3A_220 : i32 to index
      %get3A_222 = arith.index_cast %mul3A_219 : i32 to index
      %get3A_223 = tpu.vector_load %arg4[%get3A_221, %get3A_222] {strides = array<i32>} : memref<16x2048xf32, #tpu.memory_space<vmem>>, vector<1x16xf32>,
      %get3A_224 = vector.shape_cast %get3A_223 : vector<1x16xf32> to vector<16xf32>
      %add3A_225 = arith.addf %add3A_217, %get3A_224 : vector<16xf32>
      %mul3A_226 = arith.constant 16 : i32
      %mul3A_227 = arith.muli %scan3A_108, %mul3A_226 : i32
      %get3A_228 = arith.constant 14 : i32
      %get3A_229 = arith.index_cast %get3A_228 : i32 to index
      %get3A_230 = arith.index_cast %mul3A_227 : i32 to index
      %get3A_231 = tpu.vector_load %arg4[%get3A_229, %get3A_230] {strides = array<i32>} : memref<16x2048xf32, #tpu.memory_space<vmem>>, vector<1x16xf32>,
      %get3A_232 = vector.shape_cast %get3A_231 : vector<1x16xf32> to vector<16xf32>
      %add3A_233 = arith.addf %add3A_225, %get3A_232 : vector<16xf32>
      %mul3A_234 = arith.constant 16 : i32
      %mul3A_235 = arith.muli %scan3A_108, %mul3A_234 : i32
      %get3A_236 = arith.constant 15 : i32
      %get3A_237 = arith.index_cast %get3A_236 : i32 to index
      %get3A_238 = arith.index_cast %mul3A_235 : i32 to index
      %get3A_239 = tpu.vector_load %arg4[%get3A_237, %get3A_238] {strides = array<i32>} : memref<16x2048xf32, #tpu.memory_space<vmem>>, vector<1x16xf32>,
      %get3A_240 = vector.shape_cast %get3A_239 : vector<1x16xf32> to vector<16xf32>
      %add3A_241 = arith.addf %add3A_233, %get3A_240 : vector<16xf32>
      %mul3A_242 = arith.constant 16 : i32
      %mul3A_243 = arith.muli %scan3A_108, %mul3A_242 : i32
      %swap3A = arith.index_cast %mul3A_243 : i32 to index
      %swap3A_244 = tpu.vector_load %arg6[%swap3A] {strides = array<i32>} : memref<2048xf32, #tpu.memory_space<vmem>>, vector<16xf32>,
      %swap3A_245 = vector.shape_cast %swap3A_244 : vector<16xf32> to vector<16xf32>
      %swap3A_246 = vector.shape_cast %add3A_241 : vector<16xf32> to vector<16xf32>
      tpu.vector_store %arg6[%swap3A], %swap3A_246 {strides = array<i32>} : memref<2048xf32, #tpu.memory_space<vmem>>, vector<16xf32>,
      %scan3A_247 = arith.constant 0 : i32
      scf.yield %scan3A_247 : i32
    }
    %scan3A_62 = arith.constant 128 : i32
    %add3A_63 = arith.constant 32 : i32
    %add3A_64 = arith.addi %add3A_37, %add3A_63 : i32
    %dma_start3A_65 = arith.constant 0 : i32
    %dma_start3A_66 = tpu.memref_slice %arg2[%add3A_64, %dma_start3A_65] : memref<16384x2048xf32, #tpu.memory_space<hbm>> -> memref<16x2048xf32, #tpu.memory_space<hbm>>
    %dma_start3A_67 = arith.constant 0 : i32
    %dma_start3A_68 = tpu.memref_slice %arg2[%add3A_64, %dma_start3A_67] : memref<16384x2048xf32, #tpu.memory_space<hbm>> -> memref<16x2048xf32, #tpu.memory_space<hbm>>
    tpu.enqueue_dma source(%dma_start3A_68 : memref<16x2048xf32, #tpu.memory_space<hbm>>) target(%arg4 : memref<16x2048xf32, #tpu.memory_space<vmem>>) target_semaphore(%arg7 : memref<!tpu.dma_semaphore, #tpu.memory_space<semaphore_mem>>)
    %dma_wait3A_69 = arith.constant 0 : i32
    %dma_wait3A_70 = tpu.memref_slice %arg2[%add3A_48, %dma_wait3A_69] : memref<16384x2048xf32, #tpu.memory_space<hbm>> -> memref<16x2048xf32, #tpu.memory_space<hbm>>
    %dma_wait3A_71 = arith.constant 0 : i32
    %dma_wait3A_72 = tpu.memref_slice %arg2[%add3A_48, %dma_wait3A_71] : memref<16384x2048xf32, #tpu.memory_space<hbm>> -> memref<16x2048xf32, #tpu.memory_space<hbm>>
    tpu.wait_dma2 semaphore(%arg8 : memref<!tpu.dma_semaphore, #tpu.memory_space<semaphore_mem>>) src(%dma_wait3A_72 : memref<16x2048xf32, #tpu.memory_space<hbm>>) dst(%arg5 : memref<16x2048xf32, #tpu.memory_space<vmem>>)
    %scan3A_73 = arith.constant 0 : i32
    %scan3A_74 = arith.constant 0 : i32
    %scan3A_75 = arith.constant 128 : i32
    %scan3A_76 = arith.addi %scan3A_74, %scan3A_75 : i32
    %scan3A_77 = arith.constant 1 : i32
    %scan3A_78 = scf.for %scan3A_108 = %scan3A_74 to %scan3A_76 step %scan3A_77 iter_args(%scan3A_109 = %scan3A_73) -> (i32)  : i32 {
      %mul3A_110 = arith.constant 16 : i32
      %mul3A_111 = arith.muli %scan3A_108, %mul3A_110 : i32
      %get3A = arith.index_cast %mul3A_111 : i32 to index
      %get3A_112 = tpu.vector_load %arg6[%get3A] {strides = array<i32>} : memref<2048xf32, #tpu.memory_space<vmem>>, vector<16xf32>,
      %get3A_113 = vector.shape_cast %get3A_112 : vector<16xf32> to vector<16xf32>
      %mul3A_114 = arith.constant 16 : i32
      %mul3A_115 = arith.muli %scan3A_108, %mul3A_114 : i32
      %get3A_116 = arith.constant 0 : i32
      %get3A_117 = arith.index_cast %get3A_116 : i32 to index
      %get3A_118 = arith.index_cast %mul3A_115 : i32 to index
      %get3A_119 = tpu.vector_load %arg5[%get3A_117, %get3A_118] {strides = array<i32>} : memref<16x2048xf32, #tpu.memory_space<vmem>>, vector<1x16xf32>,
      %get3A_120 = vector.shape_cast %get3A_119 : vector<1x16xf32> to vector<16xf32>
      %add3A_121 = arith.addf %get3A_113, %get3A_120 : vector<16xf32>
      %mul3A_122 = arith.constant 16 : i32
      %mul3A_123 = arith.muli %scan3A_108, %mul3A_122 : i32
      %get3A_124 = arith.constant 1 : i32
      %get3A_125 = arith.index_cast %get3A_124 : i32 to index
      %get3A_126 = arith.index_cast %mul3A_123 : i32 to index
      %get3A_127 = tpu.vector_load %arg5[%get3A_125, %get3A_126] {strides = array<i32>} : memref<16x2048xf32, #tpu.memory_space<vmem>>, vector<1x16xf32>,
      %get3A_128 = vector.shape_cast %get3A_127 : vector<1x16xf32> to vector<16xf32>
      %add3A_129 = arith.addf %add3A_121, %get3A_128 : vector<16xf32>
      %mul3A_130 = arith.constant 16 : i32
      %mul3A_131 = arith.muli %scan3A_108, %mul3A_130 : i32
      %get3A_132 = arith.constant 2 : i32
      %get3A_133 = arith.index_cast %get3A_132 : i32 to index
      %get3A_134 = arith.index_cast %mul3A_131 : i32 to index
      %get3A_135 = tpu.vector_load %arg5[%get3A_133, %get3A_134] {strides = array<i32>} : memref<16x2048xf32, #tpu.memory_space<vmem>>, vector<1x16xf32>,
      %get3A_136 = vector.shape_cast %get3A_135 : vector<1x16xf32> to vector<16xf32>
      %add3A_137 = arith.addf %add3A_129, %get3A_136 : vector<16xf32>
      %mul3A_138 = arith.constant 16 : i32
      %mul3A_139 = arith.muli %scan3A_108, %mul3A_138 : i32
      %get3A_140 = arith.constant 3 : i32
      %get3A_141 = arith.index_cast %get3A_140 : i32 to index
      %get3A_142 = arith.index_cast %mul3A_139 : i32 to index
      %get3A_143 = tpu.vector_load %arg5[%get3A_141, %get3A_142] {strides = array<i32>} : memref<16x2048xf32, #tpu.memory_space<vmem>>, vector<1x16xf32>,
      %get3A_144 = vector.shape_cast %get3A_143 : vector<1x16xf32> to vector<16xf32>
      %add3A_145 = arith.addf %add3A_137, %get3A_144 : vector<16xf32>
      %mul3A_146 = arith.constant 16 : i32
      %mul3A_147 = arith.muli %scan3A_108, %mul3A_146 : i32
      %get3A_148 = arith.constant 4 : i32
      %get3A_149 = arith.index_cast %get3A_148 : i32 to index
      %get3A_150 = arith.index_cast %mul3A_147 : i32 to index
      %get3A_151 = tpu.vector_load %arg5[%get3A_149, %get3A_150] {strides = array<i32>} : memref<16x2048xf32, #tpu.memory_space<vmem>>, vector<1x16xf32>,
      %get3A_152 = vector.shape_cast %get3A_151 : vector<1x16xf32> to vector<16xf32>
      %add3A_153 = arith.addf %add3A_145, %get3A_152 : vector<16xf32>
      %mul3A_154 = arith.constant 16 : i32
      %mul3A_155 = arith.muli %scan3A_108, %mul3A_154 : i32
      %get3A_156 = arith.constant 5 : i32
      %get3A_157 = arith.index_cast %get3A_156 : i32 to index
      %get3A_158 = arith.index_cast %mul3A_155 : i32 to index
      %get3A_159 = tpu.vector_load %arg5[%get3A_157, %get3A_158] {strides = array<i32>} : memref<16x2048xf32, #tpu.memory_space<vmem>>, vector<1x16xf32>,
      %get3A_160 = vector.shape_cast %get3A_159 : vector<1x16xf32> to vector<16xf32>
      %add3A_161 = arith.addf %add3A_153, %get3A_160 : vector<16xf32>
      %mul3A_162 = arith.constant 16 : i32
      %mul3A_163 = arith.muli %scan3A_108, %mul3A_162 : i32
      %get3A_164 = arith.constant 6 : i32
      %get3A_165 = arith.index_cast %get3A_164 : i32 to index
      %get3A_166 = arith.index_cast %mul3A_163 : i32 to index
      %get3A_167 = tpu.vector_load %arg5[%get3A_165, %get3A_166] {strides = array<i32>} : memref<16x2048xf32, #tpu.memory_space<vmem>>, vector<1x16xf32>,
      %get3A_168 = vector.shape_cast %get3A_167 : vector<1x16xf32> to vector<16xf32>
      %add3A_169 = arith.addf %add3A_161, %get3A_168 : vector<16xf32>
      %mul3A_170 = arith.constant 16 : i32
      %mul3A_171 = arith.muli %scan3A_108, %mul3A_170 : i32
      %get3A_172 = arith.constant 7 : i32
      %get3A_173 = arith.index_cast %get3A_172 : i32 to index
      %get3A_174 = arith.index_cast %mul3A_171 : i32 to index
      %get3A_175 = tpu.vector_load %arg5[%get3A_173, %get3A_174] {strides = array<i32>} : memref<16x2048xf32, #tpu.memory_space<vmem>>, vector<1x16xf32>,
      %get3A_176 = vector.shape_cast %get3A_175 : vector<1x16xf32> to vector<16xf32>
      %add3A_177 = arith.addf %add3A_169, %get3A_176 : vector<16xf32>
      %mul3A_178 = arith.constant 16 : i32
      %mul3A_179 = arith.muli %scan3A_108, %mul3A_178 : i32
      %get3A_180 = arith.constant 8 : i32
      %get3A_181 = arith.index_cast %get3A_180 : i32 to index
      %get3A_182 = arith.index_cast %mul3A_179 : i32 to index
      %get3A_183 = tpu.vector_load %arg5[%get3A_181, %get3A_182] {strides = array<i32>} : memref<16x2048xf32, #tpu.memory_space<vmem>>, vector<1x16xf32>,
      %get3A_184 = vector.shape_cast %get3A_183 : vector<1x16xf32> to vector<16xf32>
      %add3A_185 = arith.addf %add3A_177, %get3A_184 : vector<16xf32>
      %mul3A_186 = arith.constant 16 : i32
      %mul3A_187 = arith.muli %scan3A_108, %mul3A_186 : i32
      %get3A_188 = arith.constant 9 : i32
      %get3A_189 = arith.index_cast %get3A_188 : i32 to index
      %get3A_190 = arith.index_cast %mul3A_187 : i32 to index
      %get3A_191 = tpu.vector_load %arg5[%get3A_189, %get3A_190] {strides = array<i32>} : memref<16x2048xf32, #tpu.memory_space<vmem>>, vector<1x16xf32>,
      %get3A_192 = vector.shape_cast %get3A_191 : vector<1x16xf32> to vector<16xf32>
      %add3A_193 = arith.addf %add3A_185, %get3A_192 : vector<16xf32>
      %mul3A_194 = arith.constant 16 : i32
      %mul3A_195 = arith.muli %scan3A_108, %mul3A_194 : i32
      %get3A_196 = arith.constant 10 : i32
      %get3A_197 = arith.index_cast %get3A_196 : i32 to index
      %get3A_198 = arith.index_cast %mul3A_195 : i32 to index
      %get3A_199 = tpu.vector_load %arg5[%get3A_197, %get3A_198] {strides = array<i32>} : memref<16x2048xf32, #tpu.memory_space<vmem>>, vector<1x16xf32>,
      %get3A_200 = vector.shape_cast %get3A_199 : vector<1x16xf32> to vector<16xf32>
      %add3A_201 = arith.addf %add3A_193, %get3A_200 : vector<16xf32>
      %mul3A_202 = arith.constant 16 : i32
      %mul3A_203 = arith.muli %scan3A_108, %mul3A_202 : i32
      %get3A_204 = arith.constant 11 : i32
      %get3A_205 = arith.index_cast %get3A_204 : i32 to index
      %get3A_206 = arith.index_cast %mul3A_203 : i32 to index
      %get3A_207 = tpu.vector_load %arg5[%get3A_205, %get3A_206] {strides = array<i32>} : memref<16x2048xf32, #tpu.memory_space<vmem>>, vector<1x16xf32>,
      %get3A_208 = vector.shape_cast %get3A_207 : vector<1x16xf32> to vector<16xf32>
      %add3A_209 = arith.addf %add3A_201, %get3A_208 : vector<16xf32>
      %mul3A_210 = arith.constant 16 : i32
      %mul3A_211 = arith.muli %scan3A_108, %mul3A_210 : i32
      %get3A_212 = arith.constant 12 : i32
      %get3A_213 = arith.index_cast %get3A_212 : i32 to index
      %get3A_214 = arith.index_cast %mul3A_211 : i32 to index
      %get3A_215 = tpu.vector_load %arg5[%get3A_213, %get3A_214] {strides = array<i32>} : memref<16x2048xf32, #tpu.memory_space<vmem>>, vector<1x16xf32>,
      %get3A_216 = vector.shape_cast %get3A_215 : vector<1x16xf32> to vector<16xf32>
      %add3A_217 = arith.addf %add3A_209, %get3A_216 : vector<16xf32>
      %mul3A_218 = arith.constant 16 : i32
      %mul3A_219 = arith.muli %scan3A_108, %mul3A_218 : i32
      %get3A_220 = arith.constant 13 : i32
      %get3A_221 = arith.index_cast %get3A_220 : i32 to index
      %get3A_222 = arith.index_cast %mul3A_219 : i32 to index
      %get3A_223 = tpu.vector_load %arg5[%get3A_221, %get3A_222] {strides = array<i32>} : memref<16x2048xf32, #tpu.memory_space<vmem>>, vector<1x16xf32>,
      %get3A_224 = vector.shape_cast %get3A_223 : vector<1x16xf32> to vector<16xf32>
      %add3A_225 = arith.addf %add3A_217, %get3A_224 : vector<16xf32>
      %mul3A_226 = arith.constant 16 : i32
      %mul3A_227 = arith.muli %scan3A_108, %mul3A_226 : i32
      %get3A_228 = arith.constant 14 : i32
      %get3A_229 = arith.index_cast %get3A_228 : i32 to index
      %get3A_230 = arith.index_cast %mul3A_227 : i32 to index
      %get3A_231 = tpu.vector_load %arg5[%get3A_229, %get3A_230] {strides = array<i32>} : memref<16x2048xf32, #tpu.memory_space<vmem>>, vector<1x16xf32>,
      %get3A_232 = vector.shape_cast %get3A_231 : vector<1x16xf32> to vector<16xf32>
      %add3A_233 = arith.addf %add3A_225, %get3A_232 : vector<16xf32>
      %mul3A_234 = arith.constant 16 : i32
      %mul3A_235 = arith.muli %scan3A_108, %mul3A_234 : i32
      %get3A_236 = arith.constant 15 : i32
      %get3A_237 = arith.index_cast %get3A_236 : i32 to index
      %get3A_238 = arith.index_cast %mul3A_235 : i32 to index
      %get3A_239 = tpu.vector_load %arg5[%get3A_237, %get3A_238] {strides = array<i32>} : memref<16x2048xf32, #tpu.memory_space<vmem>>, vector<1x16xf32>,
      %get3A_240 = vector.shape_cast %get3A_239 : vector<1x16xf32> to vector<16xf32>
      %add3A_241 = arith.addf %add3A_233, %get3A_240 : vector<16xf32>
      %mul3A_242 = arith.constant 16 : i32
      %mul3A_243 = arith.muli %scan3A_108, %mul3A_242 : i32
      %swap3A = arith.index_cast %mul3A_243 : i32 to index
      %swap3A_244 = tpu.vector_load %arg6[%swap3A] {strides = array<i32>} : memref<2048xf32, #tpu.memory_space<vmem>>, vector<16xf32>,
      %swap3A_245 = vector.shape_cast %swap3A_244 : vector<16xf32> to vector<16xf32>
      %swap3A_246 = vector.shape_cast %add3A_241 : vector<16xf32> to vector<16xf32>
      tpu.vector_store %arg6[%swap3A], %swap3A_246 {strides = array<i32>} : memref<2048xf32, #tpu.memory_space<vmem>>, vector<16xf32>,
      %scan3A_247 = arith.constant 0 : i32
      scf.yield %scan3A_247 : i32
    }
    %scan3A_79 = arith.constant 128 : i32
    %add3A_80 = arith.constant 48 : i32
    %add3A_81 = arith.addi %add3A_37, %add3A_80 : i32
    %dma_start3A_82 = arith.constant 0 : i32
    %dma_start3A_83 = tpu.memref_slice %arg2[%add3A_81, %dma_start3A_82] : memref<16384x2048xf32, #tpu.memory_space<hbm>> -> memref<16x2048xf32, #tpu.memory_space<hbm>>
    %dma_start3A_84 = arith.constant 0 : i32
    %dma_start3A_85 = tpu.memref_slice %arg2[%add3A_81, %dma_start3A_84] : memref<16384x2048xf32, #tpu.memory_space<hbm>> -> memref<16x2048xf32, #tpu.memory_space<hbm>>
    tpu.enqueue_dma source(%dma_start3A_85 : memref<16x2048xf32, #tpu.memory_space<hbm>>) target(%arg5 : memref<16x2048xf32, #tpu.memory_space<vmem>>) target_semaphore(%arg8 : memref<!tpu.dma_semaphore, #tpu.memory_space<semaphore_mem>>)
    %dma_wait3A_86 = arith.constant 0 : i32
    %dma_wait3A_87 = tpu.memref_slice %arg2[%add3A_64, %dma_wait3A_86] : memref<16384x2048xf32, #tpu.memory_space<hbm>> -> memref<16x2048xf32, #tpu.memory_space<hbm>>
    %dma_wait3A_88 = arith.constant 0 : i32
    %dma_wait3A_89 = tpu.memref_slice %arg2[%add3A_64, %dma_wait3A_88] : memref<16384x2048xf32, #tpu.memory_space<hbm>> -> memref<16x2048xf32, #tpu.memory_space<hbm>>
    tpu.wait_dma2 semaphore(%arg7 : memref<!tpu.dma_semaphore, #tpu.memory_space<semaphore_mem>>) src(%dma_wait3A_89 : memref<16x2048xf32, #tpu.memory_space<hbm>>) dst(%arg4 : memref<16x2048xf32, #tpu.memory_space<vmem>>)
    %scan3A_90 = arith.constant 0 : i32
    %scan3A_91 = arith.constant 0 : i32
    %scan3A_92 = arith.constant 128 : i32
    %scan3A_93 = arith.addi %scan3A_91, %scan3A_92 : i32
    %scan3A_94 = arith.constant 1 : i32
    %scan3A_95 = scf.for %scan3A_108 = %scan3A_91 to %scan3A_93 step %scan3A_94 iter_args(%scan3A_109 = %scan3A_90) -> (i32)  : i32 {
      %mul3A_110 = arith.constant 16 : i32
      %mul3A_111 = arith.muli %scan3A_108, %mul3A_110 : i32
      %get3A = arith.index_cast %mul3A_111 : i32 to index
      %get3A_112 = tpu.vector_load %arg6[%get3A] {strides = array<i32>} : memref<2048xf32, #tpu.memory_space<vmem>>, vector<16xf32>,
      %get3A_113 = vector.shape_cast %get3A_112 : vector<16xf32> to vector<16xf32>
      %mul3A_114 = arith.constant 16 : i32
      %mul3A_115 = arith.muli %scan3A_108, %mul3A_114 : i32
      %get3A_116 = arith.constant 0 : i32
      %get3A_117 = arith.index_cast %get3A_116 : i32 to index
      %get3A_118 = arith.index_cast %mul3A_115 : i32 to index
      %get3A_119 = tpu.vector_load %arg4[%get3A_117, %get3A_118] {strides = array<i32>} : memref<16x2048xf32, #tpu.memory_space<vmem>>, vector<1x16xf32>,
      %get3A_120 = vector.shape_cast %get3A_119 : vector<1x16xf32> to vector<16xf32>
      %add3A_121 = arith.addf %get3A_113, %get3A_120 : vector<16xf32>
      %mul3A_122 = arith.constant 16 : i32
      %mul3A_123 = arith.muli %scan3A_108, %mul3A_122 : i32
      %get3A_124 = arith.constant 1 : i32
      %get3A_125 = arith.index_cast %get3A_124 : i32 to index
      %get3A_126 = arith.index_cast %mul3A_123 : i32 to index
      %get3A_127 = tpu.vector_load %arg4[%get3A_125, %get3A_126] {strides = array<i32>} : memref<16x2048xf32, #tpu.memory_space<vmem>>, vector<1x16xf32>,
      %get3A_128 = vector.shape_cast %get3A_127 : vector<1x16xf32> to vector<16xf32>
      %add3A_129 = arith.addf %add3A_121, %get3A_128 : vector<16xf32>
      %mul3A_130 = arith.constant 16 : i32
      %mul3A_131 = arith.muli %scan3A_108, %mul3A_130 : i32
      %get3A_132 = arith.constant 2 : i32
      %get3A_133 = arith.index_cast %get3A_132 : i32 to index
      %get3A_134 = arith.index_cast %mul3A_131 : i32 to index
      %get3A_135 = tpu.vector_load %arg4[%get3A_133, %get3A_134] {strides = array<i32>} : memref<16x2048xf32, #tpu.memory_space<vmem>>, vector<1x16xf32>,
      %get3A_136 = vector.shape_cast %get3A_135 : vector<1x16xf32> to vector<16xf32>
      %add3A_137 = arith.addf %add3A_129, %get3A_136 : vector<16xf32>
      %mul3A_138 = arith.constant 16 : i32
      %mul3A_139 = arith.muli %scan3A_108, %mul3A_138 : i32
      %get3A_140 = arith.constant 3 : i32
      %get3A_141 = arith.index_cast %get3A_140 : i32 to index
      %get3A_142 = arith.index_cast %mul3A_139 : i32 to index
      %get3A_143 = tpu.vector_load %arg4[%get3A_141, %get3A_142] {strides = array<i32>} : memref<16x2048xf32, #tpu.memory_space<vmem>>, vector<1x16xf32>,
      %get3A_144 = vector.shape_cast %get3A_143 : vector<1x16xf32> to vector<16xf32>
      %add3A_145 = arith.addf %add3A_137, %get3A_144 : vector<16xf32>
      %mul3A_146 = arith.constant 16 : i32
      %mul3A_147 = arith.muli %scan3A_108, %mul3A_146 : i32
      %get3A_148 = arith.constant 4 : i32
      %get3A_149 = arith.index_cast %get3A_148 : i32 to index
      %get3A_150 = arith.index_cast %mul3A_147 : i32 to index
      %get3A_151 = tpu.vector_load %arg4[%get3A_149, %get3A_150] {strides = array<i32>} : memref<16x2048xf32, #tpu.memory_space<vmem>>, vector<1x16xf32>,
      %get3A_152 = vector.shape_cast %get3A_151 : vector<1x16xf32> to vector<16xf32>
      %add3A_153 = arith.addf %add3A_145, %get3A_152 : vector<16xf32>
      %mul3A_154 = arith.constant 16 : i32
      %mul3A_155 = arith.muli %scan3A_108, %mul3A_154 : i32
      %get3A_156 = arith.constant 5 : i32
      %get3A_157 = arith.index_cast %get3A_156 : i32 to index
      %get3A_158 = arith.index_cast %mul3A_155 : i32 to index
      %get3A_159 = tpu.vector_load %arg4[%get3A_157, %get3A_158] {strides = array<i32>} : memref<16x2048xf32, #tpu.memory_space<vmem>>, vector<1x16xf32>,
      %get3A_160 = vector.shape_cast %get3A_159 : vector<1x16xf32> to vector<16xf32>
      %add3A_161 = arith.addf %add3A_153, %get3A_160 : vector<16xf32>
      %mul3A_162 = arith.constant 16 : i32
      %mul3A_163 = arith.muli %scan3A_108, %mul3A_162 : i32
      %get3A_164 = arith.constant 6 : i32
      %get3A_165 = arith.index_cast %get3A_164 : i32 to index
      %get3A_166 = arith.index_cast %mul3A_163 : i32 to index
      %get3A_167 = tpu.vector_load %arg4[%get3A_165, %get3A_166] {strides = array<i32>} : memref<16x2048xf32, #tpu.memory_space<vmem>>, vector<1x16xf32>,
      %get3A_168 = vector.shape_cast %get3A_167 : vector<1x16xf32> to vector<16xf32>
      %add3A_169 = arith.addf %add3A_161, %get3A_168 : vector<16xf32>
      %mul3A_170 = arith.constant 16 : i32
      %mul3A_171 = arith.muli %scan3A_108, %mul3A_170 : i32
      %get3A_172 = arith.constant 7 : i32
      %get3A_173 = arith.index_cast %get3A_172 : i32 to index
      %get3A_174 = arith.index_cast %mul3A_171 : i32 to index
      %get3A_175 = tpu.vector_load %arg4[%get3A_173, %get3A_174] {strides = array<i32>} : memref<16x2048xf32, #tpu.memory_space<vmem>>, vector<1x16xf32>,
      %get3A_176 = vector.shape_cast %get3A_175 : vector<1x16xf32> to vector<16xf32>
      %add3A_177 = arith.addf %add3A_169, %get3A_176 : vector<16xf32>
      %mul3A_178 = arith.constant 16 : i32
      %mul3A_179 = arith.muli %scan3A_108, %mul3A_178 : i32
      %get3A_180 = arith.constant 8 : i32
      %get3A_181 = arith.index_cast %get3A_180 : i32 to index
      %get3A_182 = arith.index_cast %mul3A_179 : i32 to index
      %get3A_183 = tpu.vector_load %arg4[%get3A_181, %get3A_182] {strides = array<i32>} : memref<16x2048xf32, #tpu.memory_space<vmem>>, vector<1x16xf32>,
      %get3A_184 = vector.shape_cast %get3A_183 : vector<1x16xf32> to vector<16xf32>
      %add3A_185 = arith.addf %add3A_177, %get3A_184 : vector<16xf32>
      %mul3A_186 = arith.constant 16 : i32
      %mul3A_187 = arith.muli %scan3A_108, %mul3A_186 : i32
      %get3A_188 = arith.constant 9 : i32
      %get3A_189 = arith.index_cast %get3A_188 : i32 to index
      %get3A_190 = arith.index_cast %mul3A_187 : i32 to index
      %get3A_191 = tpu.vector_load %arg4[%get3A_189, %get3A_190] {strides = array<i32>} : memref<16x2048xf32, #tpu.memory_space<vmem>>, vector<1x16xf32>,
      %get3A_192 = vector.shape_cast %get3A_191 : vector<1x16xf32> to vector<16xf32>
      %add3A_193 = arith.addf %add3A_185, %get3A_192 : vector<16xf32>
      %mul3A_194 = arith.constant 16 : i32
      %mul3A_195 = arith.muli %scan3A_108, %mul3A_194 : i32
      %get3A_196 = arith.constant 10 : i32
      %get3A_197 = arith.index_cast %get3A_196 : i32 to index
      %get3A_198 = arith.index_cast %mul3A_195 : i32 to index
      %get3A_199 = tpu.vector_load %arg4[%get3A_197, %get3A_198] {strides = array<i32>} : memref<16x2048xf32, #tpu.memory_space<vmem>>, vector<1x16xf32>,
      %get3A_200 = vector.shape_cast %get3A_199 : vector<1x16xf32> to vector<16xf32>
      %add3A_201 = arith.addf %add3A_193, %get3A_200 : vector<16xf32>
      %mul3A_202 = arith.constant 16 : i32
      %mul3A_203 = arith.muli %scan3A_108, %mul3A_202 : i32
      %get3A_204 = arith.constant 11 : i32
      %get3A_205 = arith.index_cast %get3A_204 : i32 to index
      %get3A_206 = arith.index_cast %mul3A_203 : i32 to index
      %get3A_207 = tpu.vector_load %arg4[%get3A_205, %get3A_206] {strides = array<i32>} : memref<16x2048xf32, #tpu.memory_space<vmem>>, vector<1x16xf32>,
      %get3A_208 = vector.shape_cast %get3A_207 : vector<1x16xf32> to vector<16xf32>
      %add3A_209 = arith.addf %add3A_201, %get3A_208 : vector<16xf32>
      %mul3A_210 = arith.constant 16 : i32
      %mul3A_211 = arith.muli %scan3A_108, %mul3A_210 : i32
      %get3A_212 = arith.constant 12 : i32
      %get3A_213 = arith.index_cast %get3A_212 : i32 to index
      %get3A_214 = arith.index_cast %mul3A_211 : i32 to index
      %get3A_215 = tpu.vector_load %arg4[%get3A_213, %get3A_214] {strides = array<i32>} : memref<16x2048xf32, #tpu.memory_space<vmem>>, vector<1x16xf32>,
      %get3A_216 = vector.shape_cast %get3A_215 : vector<1x16xf32> to vector<16xf32>
      %add3A_217 = arith.addf %add3A_209, %get3A_216 : vector<16xf32>
      %mul3A_218 = arith.constant 16 : i32
      %mul3A_219 = arith.muli %scan3A_108, %mul3A_218 : i32
      %get3A_220 = arith.constant 13 : i32
      %get3A_221 = arith.index_cast %get3A_220 : i32 to index
      %get3A_222 = arith.index_cast %mul3A_219 : i32 to index
      %get3A_223 = tpu.vector_load %arg4[%get3A_221, %get3A_222] {strides = array<i32>} : memref<16x2048xf32, #tpu.memory_space<vmem>>, vector<1x16xf32>,
      %get3A_224 = vector.shape_cast %get3A_223 : vector<1x16xf32> to vector<16xf32>
      %add3A_225 = arith.addf %add3A_217, %get3A_224 : vector<16xf32>
      %mul3A_226 = arith.constant 16 : i32
      %mul3A_227 = arith.muli %scan3A_108, %mul3A_226 : i32
      %get3A_228 = arith.constant 14 : i32
      %get3A_229 = arith.index_cast %get3A_228 : i32 to index
      %get3A_230 = arith.index_cast %mul3A_227 : i32 to index
      %get3A_231 = tpu.vector_load %arg4[%get3A_229, %get3A_230] {strides = array<i32>} : memref<16x2048xf32, #tpu.memory_space<vmem>>, vector<1x16xf32>,
      %get3A_232 = vector.shape_cast %get3A_231 : vector<1x16xf32> to vector<16xf32>
      %add3A_233 = arith.addf %add3A_225, %get3A_232 : vector<16xf32>
      %mul3A_234 = arith.constant 16 : i32
      %mul3A_235 = arith.muli %scan3A_108, %mul3A_234 : i32
      %get3A_236 = arith.constant 15 : i32
      %get3A_237 = arith.index_cast %get3A_236 : i32 to index
      %get3A_238 = arith.index_cast %mul3A_235 : i32 to index
      %get3A_239 = tpu.vector_load %arg4[%get3A_237, %get3A_238] {strides = array<i32>} : memref<16x2048xf32, #tpu.memory_space<vmem>>, vector<1x16xf32>,
      %get3A_240 = vector.shape_cast %get3A_239 : vector<1x16xf32> to vector<16xf32>
      %add3A_241 = arith.addf %add3A_233, %get3A_240 : vector<16xf32>
      %mul3A_242 = arith.constant 16 : i32
      %mul3A_243 = arith.muli %scan3A_108, %mul3A_242 : i32
      %swap3A = arith.index_cast %mul3A_243 : i32 to index
      %swap3A_244 = tpu.vector_load %arg6[%swap3A] {strides = array<i32>} : memref<2048xf32, #tpu.memory_space<vmem>>, vector<16xf32>,
      %swap3A_245 = vector.shape_cast %swap3A_244 : vector<16xf32> to vector<16xf32>
      %swap3A_246 = vector.shape_cast %add3A_241 : vector<16xf32> to vector<16xf32>
      tpu.vector_store %arg6[%swap3A], %swap3A_246 {strides = array<i32>} : memref<2048xf32, #tpu.memory_space<vmem>>, vector<16xf32>,
      %scan3A_247 = arith.constant 0 : i32
      scf.yield %scan3A_247 : i32
    }
    %scan3A_96 = arith.constant 128 : i32
    %dma_wait3A_97 = arith.constant 0 : i32
    %dma_wait3A_98 = tpu.memref_slice %arg2[%add3A_81, %dma_wait3A_97] : memref<16384x2048xf32, #tpu.memory_space<hbm>> -> memref<16x2048xf32, #tpu.memory_space<hbm>>
    %dma_wait3A_99 = arith.constant 0 : i32
    %dma_wait3A_100 = tpu.memref_slice %arg2[%add3A_81, %dma_wait3A_99] : memref<16384x2048xf32, #tpu.memory_space<hbm>> -> memref<16x2048xf32, #tpu.memory_space<hbm>>
    tpu.wait_dma2 semaphore(%arg8 : memref<!tpu.dma_semaphore, #tpu.memory_space<semaphore_mem>>) src(%dma_wait3A_100 : memref<16x2048xf32, #tpu.memory_space<hbm>>) dst(%arg5 : memref<16x2048xf32, #tpu.memory_space<vmem>>)
    %scan3A_101 = arith.constant 0 : i32
    %scan3A_102 = arith.constant 0 : i32
    %scan3A_103 = arith.constant 128 : i32
    %scan3A_104 = arith.addi %scan3A_102, %scan3A_103 : i32
    %scan3A_105 = arith.constant 1 : i32
    %scan3A_106 = scf.for %scan3A_108 = %scan3A_102 to %scan3A_104 step %scan3A_105 iter_args(%scan3A_109 = %scan3A_101) -> (i32)  : i32 {
      %mul3A_110 = arith.constant 16 : i32
      %mul3A_111 = arith.muli %scan3A_108, %mul3A_110 : i32
      %get3A = arith.index_cast %mul3A_111 : i32 to index
      %get3A_112 = tpu.vector_load %arg6[%get3A] {strides = array<i32>} : memref<2048xf32, #tpu.memory_space<vmem>>, vector<16xf32>,
      %get3A_113 = vector.shape_cast %get3A_112 : vector<16xf32> to vector<16xf32>
      %mul3A_114 = arith.constant 16 : i32
      %mul3A_115 = arith.muli %scan3A_108, %mul3A_114 : i32
      %get3A_116 = arith.constant 0 : i32
      %get3A_117 = arith.index_cast %get3A_116 : i32 to index
      %get3A_118 = arith.index_cast %mul3A_115 : i32 to index
      %get3A_119 = tpu.vector_load %arg5[%get3A_117, %get3A_118] {strides = array<i32>} : memref<16x2048xf32, #tpu.memory_space<vmem>>, vector<1x16xf32>,
      %get3A_120 = vector.shape_cast %get3A_119 : vector<1x16xf32> to vector<16xf32>
      %add3A_121 = arith.addf %get3A_113, %get3A_120 : vector<16xf32>
      %mul3A_122 = arith.constant 16 : i32
      %mul3A_123 = arith.muli %scan3A_108, %mul3A_122 : i32
      %get3A_124 = arith.constant 1 : i32
      %get3A_125 = arith.index_cast %get3A_124 : i32 to index
      %get3A_126 = arith.index_cast %mul3A_123 : i32 to index
      %get3A_127 = tpu.vector_load %arg5[%get3A_125, %get3A_126] {strides = array<i32>} : memref<16x2048xf32, #tpu.memory_space<vmem>>, vector<1x16xf32>,
      %get3A_128 = vector.shape_cast %get3A_127 : vector<1x16xf32> to vector<16xf32>
      %add3A_129 = arith.addf %add3A_121, %get3A_128 : vector<16xf32>
      %mul3A_130 = arith.constant 16 : i32
      %mul3A_131 = arith.muli %scan3A_108, %mul3A_130 : i32
      %get3A_132 = arith.constant 2 : i32
      %get3A_133 = arith.index_cast %get3A_132 : i32 to index
      %get3A_134 = arith.index_cast %mul3A_131 : i32 to index
      %get3A_135 = tpu.vector_load %arg5[%get3A_133, %get3A_134] {strides = array<i32>} : memref<16x2048xf32, #tpu.memory_space<vmem>>, vector<1x16xf32>,
      %get3A_136 = vector.shape_cast %get3A_135 : vector<1x16xf32> to vector<16xf32>
      %add3A_137 = arith.addf %add3A_129, %get3A_136 : vector<16xf32>
      %mul3A_138 = arith.constant 16 : i32
      %mul3A_139 = arith.muli %scan3A_108, %mul3A_138 : i32
      %get3A_140 = arith.constant 3 : i32
      %get3A_141 = arith.index_cast %get3A_140 : i32 to index
      %get3A_142 = arith.index_cast %mul3A_139 : i32 to index
      %get3A_143 = tpu.vector_load %arg5[%get3A_141, %get3A_142] {strides = array<i32>} : memref<16x2048xf32, #tpu.memory_space<vmem>>, vector<1x16xf32>,
      %get3A_144 = vector.shape_cast %get3A_143 : vector<1x16xf32> to vector<16xf32>
      %add3A_145 = arith.addf %add3A_137, %get3A_144 : vector<16xf32>
      %mul3A_146 = arith.constant 16 : i32
      %mul3A_147 = arith.muli %scan3A_108, %mul3A_146 : i32
      %get3A_148 = arith.constant 4 : i32
      %get3A_149 = arith.index_cast %get3A_148 : i32 to index
      %get3A_150 = arith.index_cast %mul3A_147 : i32 to index
      %get3A_151 = tpu.vector_load %arg5[%get3A_149, %get3A_150] {strides = array<i32>} : memref<16x2048xf32, #tpu.memory_space<vmem>>, vector<1x16xf32>,
      %get3A_152 = vector.shape_cast %get3A_151 : vector<1x16xf32> to vector<16xf32>
      %add3A_153 = arith.addf %add3A_145, %get3A_152 : vector<16xf32>
      %mul3A_154 = arith.constant 16 : i32
      %mul3A_155 = arith.muli %scan3A_108, %mul3A_154 : i32
      %get3A_156 = arith.constant 5 : i32
      %get3A_157 = arith.index_cast %get3A_156 : i32 to index
      %get3A_158 = arith.index_cast %mul3A_155 : i32 to index
      %get3A_159 = tpu.vector_load %arg5[%get3A_157, %get3A_158] {strides = array<i32>} : memref<16x2048xf32, #tpu.memory_space<vmem>>, vector<1x16xf32>,
      %get3A_160 = vector.shape_cast %get3A_159 : vector<1x16xf32> to vector<16xf32>
      %add3A_161 = arith.addf %add3A_153, %get3A_160 : vector<16xf32>
      %mul3A_162 = arith.constant 16 : i32
      %mul3A_163 = arith.muli %scan3A_108, %mul3A_162 : i32
      %get3A_164 = arith.constant 6 : i32
      %get3A_165 = arith.index_cast %get3A_164 : i32 to index
      %get3A_166 = arith.index_cast %mul3A_163 : i32 to index
      %get3A_167 = tpu.vector_load %arg5[%get3A_165, %get3A_166] {strides = array<i32>} : memref<16x2048xf32, #tpu.memory_space<vmem>>, vector<1x16xf32>,
      %get3A_168 = vector.shape_cast %get3A_167 : vector<1x16xf32> to vector<16xf32>
      %add3A_169 = arith.addf %add3A_161, %get3A_168 : vector<16xf32>
      %mul3A_170 = arith.constant 16 : i32
      %mul3A_171 = arith.muli %scan3A_108, %mul3A_170 : i32
      %get3A_172 = arith.constant 7 : i32
      %get3A_173 = arith.index_cast %get3A_172 : i32 to index
      %get3A_174 = arith.index_cast %mul3A_171 : i32 to index
      %get3A_175 = tpu.vector_load %arg5[%get3A_173, %get3A_174] {strides = array<i32>} : memref<16x2048xf32, #tpu.memory_space<vmem>>, vector<1x16xf32>,
      %get3A_176 = vector.shape_cast %get3A_175 : vector<1x16xf32> to vector<16xf32>
      %add3A_177 = arith.addf %add3A_169, %get3A_176 : vector<16xf32>
      %mul3A_178 = arith.constant 16 : i32
      %mul3A_179 = arith.muli %scan3A_108, %mul3A_178 : i32
      %get3A_180 = arith.constant 8 : i32
      %get3A_181 = arith.index_cast %get3A_180 : i32 to index
      %get3A_182 = arith.index_cast %mul3A_179 : i32 to index
      %get3A_183 = tpu.vector_load %arg5[%get3A_181, %get3A_182] {strides = array<i32>} : memref<16x2048xf32, #tpu.memory_space<vmem>>, vector<1x16xf32>,
      %get3A_184 = vector.shape_cast %get3A_183 : vector<1x16xf32> to vector<16xf32>
      %add3A_185 = arith.addf %add3A_177, %get3A_184 : vector<16xf32>
      %mul3A_186 = arith.constant 16 : i32
      %mul3A_187 = arith.muli %scan3A_108, %mul3A_186 : i32
      %get3A_188 = arith.constant 9 : i32
      %get3A_189 = arith.index_cast %get3A_188 : i32 to index
      %get3A_190 = arith.index_cast %mul3A_187 : i32 to index
      %get3A_191 = tpu.vector_load %arg5[%get3A_189, %get3A_190] {strides = array<i32>} : memref<16x2048xf32, #tpu.memory_space<vmem>>, vector<1x16xf32>,
      %get3A_192 = vector.shape_cast %get3A_191 : vector<1x16xf32> to vector<16xf32>
      %add3A_193 = arith.addf %add3A_185, %get3A_192 : vector<16xf32>
      %mul3A_194 = arith.constant 16 : i32
      %mul3A_195 = arith.muli %scan3A_108, %mul3A_194 : i32
      %get3A_196 = arith.constant 10 : i32
      %get3A_197 = arith.index_cast %get3A_196 : i32 to index
      %get3A_198 = arith.index_cast %mul3A_195 : i32 to index
      %get3A_199 = tpu.vector_load %arg5[%get3A_197, %get3A_198] {strides = array<i32>} : memref<16x2048xf32, #tpu.memory_space<vmem>>, vector<1x16xf32>,
      %get3A_200 = vector.shape_cast %get3A_199 : vector<1x16xf32> to vector<16xf32>
      %add3A_201 = arith.addf %add3A_193, %get3A_200 : vector<16xf32>
      %mul3A_202 = arith.constant 16 : i32
      %mul3A_203 = arith.muli %scan3A_108, %mul3A_202 : i32
      %get3A_204 = arith.constant 11 : i32
      %get3A_205 = arith.index_cast %get3A_204 : i32 to index
      %get3A_206 = arith.index_cast %mul3A_203 : i32 to index
      %get3A_207 = tpu.vector_load %arg5[%get3A_205, %get3A_206] {strides = array<i32>} : memref<16x2048xf32, #tpu.memory_space<vmem>>, vector<1x16xf32>,
      %get3A_208 = vector.shape_cast %get3A_207 : vector<1x16xf32> to vector<16xf32>
      %add3A_209 = arith.addf %add3A_201, %get3A_208 : vector<16xf32>
      %mul3A_210 = arith.constant 16 : i32
      %mul3A_211 = arith.muli %scan3A_108, %mul3A_210 : i32
      %get3A_212 = arith.constant 12 : i32
      %get3A_213 = arith.index_cast %get3A_212 : i32 to index
      %get3A_214 = arith.index_cast %mul3A_211 : i32 to index
      %get3A_215 = tpu.vector_load %arg5[%get3A_213, %get3A_214] {strides = array<i32>} : memref<16x2048xf32, #tpu.memory_space<vmem>>, vector<1x16xf32>,
      %get3A_216 = vector.shape_cast %get3A_215 : vector<1x16xf32> to vector<16xf32>
      %add3A_217 = arith.addf %add3A_209, %get3A_216 : vector<16xf32>
      %mul3A_218 = arith.constant 16 : i32
      %mul3A_219 = arith.muli %scan3A_108, %mul3A_218 : i32
      %get3A_220 = arith.constant 13 : i32
      %get3A_221 = arith.index_cast %get3A_220 : i32 to index
      %get3A_222 = arith.index_cast %mul3A_219 : i32 to index
      %get3A_223 = tpu.vector_load %arg5[%get3A_221, %get3A_222] {strides = array<i32>} : memref<16x2048xf32, #tpu.memory_space<vmem>>, vector<1x16xf32>,
      %get3A_224 = vector.shape_cast %get3A_223 : vector<1x16xf32> to vector<16xf32>
      %add3A_225 = arith.addf %add3A_217, %get3A_224 : vector<16xf32>
      %mul3A_226 = arith.constant 16 : i32
      %mul3A_227 = arith.muli %scan3A_108, %mul3A_226 : i32
      %get3A_228 = arith.constant 14 : i32
      %get3A_229 = arith.index_cast %get3A_228 : i32 to index
      %get3A_230 = arith.index_cast %mul3A_227 : i32 to index
      %get3A_231 = tpu.vector_load %arg5[%get3A_229, %get3A_230] {strides = array<i32>} : memref<16x2048xf32, #tpu.memory_space<vmem>>, vector<1x16xf32>,
      %get3A_232 = vector.shape_cast %get3A_231 : vector<1x16xf32> to vector<16xf32>
      %add3A_233 = arith.addf %add3A_225, %get3A_232 : vector<16xf32>
      %mul3A_234 = arith.constant 16 : i32
      %mul3A_235 = arith.muli %scan3A_108, %mul3A_234 : i32
      %get3A_236 = arith.constant 15 : i32
      %get3A_237 = arith.index_cast %get3A_236 : i32 to index
      %get3A_238 = arith.index_cast %mul3A_235 : i32 to index
      %get3A_239 = tpu.vector_load %arg5[%get3A_237, %get3A_238] {strides = array<i32>} : memref<16x2048xf32, #tpu.memory_space<vmem>>, vector<1x16xf32>,
      %get3A_240 = vector.shape_cast %get3A_239 : vector<1x16xf32> to vector<16xf32>
      %add3A_241 = arith.addf %add3A_233, %get3A_240 : vector<16xf32>
      %mul3A_242 = arith.constant 16 : i32
      %mul3A_243 = arith.muli %scan3A_108, %mul3A_242 : i32
      %swap3A = arith.index_cast %mul3A_243 : i32 to index
      %swap3A_244 = tpu.vector_load %arg6[%swap3A] {strides = array<i32>} : memref<2048xf32, #tpu.memory_space<vmem>>, vector<16xf32>,
      %swap3A_245 = vector.shape_cast %swap3A_244 : vector<16xf32> to vector<16xf32>
      %swap3A_246 = vector.shape_cast %add3A_241 : vector<16xf32> to vector<16xf32>
      tpu.vector_store %arg6[%swap3A], %swap3A_246 {strides = array<i32>} : memref<2048xf32, #tpu.memory_space<vmem>>, vector<16xf32>,
      %scan3A_247 = arith.constant 0 : i32
      scf.yield %scan3A_247 : i32
    }
    %scan3A_107 = arith.constant 128 : i32
    "tpu.region"() ({
      %run_scoped3A = tpu.sem_alloc : memref<!tpu.dma_semaphore, #tpu.memory_space<semaphore_mem>>
      %dma_start3A_108 = arith.constant 0 : i32
      %dma_start3A_109 = tpu.memref_slice %arg3[%add3A, %dma_start3A_108] : memref<32x2048xf32, #tpu.memory_space<hbm>> -> memref<1x2048xf32, #tpu.memory_space<hbm>>
      %dma_start3A_110 = tpu.memref_squeeze %dma_start3A_109 : memref<1x2048xf32, #tpu.memory_space<hbm>> -> memref<2048xf32, #tpu.memory_space<hbm>>
      %dma_start3A_111 = arith.constant 0 : i32
      %dma_start3A_112 = tpu.memref_slice %arg3[%add3A, %dma_start3A_111] : memref<32x2048xf32, #tpu.memory_space<hbm>> -> memref<1x2048xf32, #tpu.memory_space<hbm>>
      %dma_start3A_113 = tpu.memref_squeeze %dma_start3A_112 : memref<1x2048xf32, #tpu.memory_space<hbm>> -> memref<2048xf32, #tpu.memory_space<hbm>>
      tpu.enqueue_dma source(%arg6 : memref<2048xf32, #tpu.memory_space<vmem>>) target(%dma_start3A_113 : memref<2048xf32, #tpu.memory_space<hbm>>) target_semaphore(%run_scoped3A : memref<!tpu.dma_semaphore, #tpu.memory_space<semaphore_mem>>)
      %dma_wait3A_114 = arith.constant 0 : i32
      %dma_wait3A_115 = tpu.memref_slice %arg3[%add3A, %dma_wait3A_114] : memref<32x2048xf32, #tpu.memory_space<hbm>> -> memref<1x2048xf32, #tpu.memory_space<hbm>>
      %dma_wait3A_116 = tpu.memref_squeeze %dma_wait3A_115 : memref<1x2048xf32, #tpu.memory_space<hbm>> -> memref<2048xf32, #tpu.memory_space<hbm>>
      %dma_wait3A_117 = arith.constant 0 : i32
      %dma_wait3A_118 = tpu.memref_slice %arg3[%add3A, %dma_wait3A_117] : memref<32x2048xf32, #tpu.memory_space<hbm>> -> memref<1x2048xf32, #tpu.memory_space<hbm>>
      %dma_wait3A_119 = tpu.memref_squeeze %dma_wait3A_118 : memref<1x2048xf32, #tpu.memory_space<hbm>> -> memref<2048xf32, #tpu.memory_space<hbm>>
      tpu.wait_dma2 semaphore(%run_scoped3A : memref<!tpu.dma_semaphore, #tpu.memory_space<semaphore_mem>>) src(%arg6 : memref<2048xf32, #tpu.memory_space<vmem>>) dst(%dma_wait3A_119 : memref<2048xf32, #tpu.memory_space<hbm>>)
      tpu.yield
    }) : () -> ()
    return
  }
}

module attributes {stable_mosaic.version = 14 : i64} {
  func.func @_tc_reduce_body(%arg0: i32, %arg1: memref<4x256x2048xf32, #tpu.memory_space<vmem>>, %arg2: memref<4x8x2048xf32, #tpu.memory_space<vmem>>) attributes {dimension_semantics = [#tpu.dimension_semantics<arbitrary>], iteration_bounds = array<i64: 14>, scalar_prefetch = 0 : i64, scratch_operands = 0 : i64, tpu.core_type = #tpu.core_type<tc>, window_params = [{transform_indices = @transform_0, window_bounds = array<i64: 4, 256, 2048>}, {pipeline_mode = #tpu.pipeline_mode<synchronous>, transform_indices = @transform_1, window_bounds = array<i64: 4, 8, 2048>}]} {
    %eq3A = arith.constant 0 : i32
    %eq3A_0 = arith.cmpi eq, %arg0, %eq3A : i32
    %convert_element_type3A = arith.extui %eq3A_0 : i1 to i32
    %cond3A = arith.constant 0 : i32
    %cond3A_1 = arith.cmpi ne, %convert_element_type3A, %cond3A : i32
    scf.if %cond3A_1 {
      %broadcast_in_dim3A = arith.constant 0.000000e+00 : f32
      %broadcast_in_dim3A_13 = vector.broadcast %broadcast_in_dim3A : f32 to vector<4x8x2048xf32>
      %swap3A_14 = arith.constant 0 : index
      %swap3A_15 = arith.constant 0 : index
      %swap3A_16 = arith.constant 0 : index
      %swap3A_17 = vector.load %arg2[%swap3A_14, %swap3A_15, %swap3A_16] : memref<4x8x2048xf32, #tpu.memory_space<vmem>>, vector<4x8x2048xf32>
      tpu.vector_store %arg2[%swap3A_14, %swap3A_15, %swap3A_16], %broadcast_in_dim3A_13 {strides = array<i32>} : memref<4x8x2048xf32, #tpu.memory_space<vmem>>, vector<4x8x2048xf32>,
    } else {
    }
    %get3A = arith.constant 0 : index
    %get3A_2 = arith.constant 0 : index
    %get3A_3 = arith.constant 0 : index
    %get3A_4 = vector.load %arg1[%get3A, %get3A_2, %get3A_3] : memref<4x256x2048xf32, #tpu.memory_space<vmem>>, vector<4x256x2048xf32>
    %reshape3A = vector.shape_cast %get3A_4 : vector<4x256x2048xf32> to vector<4x32x8x2048xf32>
    %get3A_5 = arith.constant 0 : index
    %get3A_6 = arith.constant 0 : index
    %get3A_7 = arith.constant 0 : index
    %get3A_8 = vector.load %arg2[%get3A_5, %get3A_6, %get3A_7] : memref<4x8x2048xf32, #tpu.memory_space<vmem>>, vector<4x8x2048xf32>
    %reduce_sum3A = arith.constant dense<0.000000e+00> : vector<4x8x2048xf32>
    %reduce_sum3A_9 = vector.multi_reduction <add>, %reshape3A, %reduce_sum3A [1] : vector<4x32x8x2048xf32> to vector<4x8x2048xf32>
    %add3A = arith.addf %get3A_8, %reduce_sum3A_9 : vector<4x8x2048xf32>
    %swap3A = arith.constant 0 : index
    %swap3A_10 = arith.constant 0 : index
    %swap3A_11 = arith.constant 0 : index
    %swap3A_12 = vector.load %arg2[%swap3A, %swap3A_10, %swap3A_11] : memref<4x8x2048xf32, #tpu.memory_space<vmem>>, vector<4x8x2048xf32>
    tpu.vector_store %arg2[%swap3A, %swap3A_10, %swap3A_11], %add3A {strides = array<i32>} : memref<4x8x2048xf32, #tpu.memory_space<vmem>>, vector<4x8x2048xf32>,
    return
  }
  func.func @transform_0(%arg0: i32) -> (i32, i32, i32) {
    %c0_i32 = arith.constant 0 : i32
    %c0_i32_0 = arith.constant 0 : i32
    %c0_i32_1 = arith.constant 0 : i32
    return %c0_i32, %arg0, %c0_i32_0 : i32, i32, i32
  }
  func.func @transform_1(%arg0: i32) -> (i32, i32, i32) {
    %c0_i32 = arith.constant 0 : i32
    %c0_i32_0 = arith.constant 0 : i32
    %c0_i32_1 = arith.constant 0 : i32
    %c0_i32_2 = arith.constant 0 : i32
    return %c0_i32, %c0_i32_0, %c0_i32_1 : i32, i32, i32
  }
}

module attributes {stable_mosaic.version = 14 : i64} {
  func.func @_final_body(%arg0: memref<4x8x2048xf32, #tpu.memory_space<vmem>>, %arg1: memref<32x2048xf32, #tpu.memory_space<vmem>>, %arg2: memref<2048x2048xf32, #tpu.memory_space<vmem>>, %arg3: memref<2048xf32, #tpu.memory_space<vmem>>, %arg4: memref<64x2048xf32, #tpu.memory_space<vmem>>, %arg5: memref<64x32xf32, #tpu.memory_space<vmem>>, %arg6: memref<4x32xf32, #tpu.memory_space<vmem>>) attributes {dimension_semantics = [], scalar_prefetch = 0 : i64, scratch_operands = 0 : i64, tpu.core_type = #tpu.core_type<tc>} {
    %get3A = arith.constant 0 : index
    %get3A_0 = arith.constant 0 : index
    %get3A_1 = arith.constant 0 : index
    %get3A_2 = vector.load %arg0[%get3A, %get3A_0, %get3A_1] : memref<4x8x2048xf32, #tpu.memory_space<vmem>>, vector<4x8x2048xf32>
    %reduce_sum3A = arith.constant dense<0.000000e+00> : vector<4x2048xf32>
    %reduce_sum3A_3 = vector.multi_reduction <add>, %get3A_2, %reduce_sum3A [1] : vector<4x8x2048xf32> to vector<4x2048xf32>
    %get3A_4 = arith.constant 0 : index
    %get3A_5 = arith.constant 0 : index
    %get3A_6 = vector.load %arg1[%get3A_4, %get3A_5] : memref<32x2048xf32, #tpu.memory_space<vmem>>, vector<32x2048xf32>
    %reshape3A = vector.shape_cast %get3A_6 : vector<32x2048xf32> to vector<4x8x2048xf32>
    %reduce_sum3A_7 = arith.constant dense<0.000000e+00> : vector<4x2048xf32>
    %reduce_sum3A_8 = vector.multi_reduction <add>, %reshape3A, %reduce_sum3A_7 [1] : vector<4x8x2048xf32> to vector<4x2048xf32>
    %add3A = arith.addf %reduce_sum3A_3, %reduce_sum3A_8 : vector<4x2048xf32>
    %mul3A = arith.constant 2.44140625E-4 : f32
    %mul3A_9 = vector.broadcast %mul3A : f32 to vector<4x2048xf32>
    %mul3A_10 = arith.mulf %add3A, %mul3A_9 : vector<4x2048xf32>
    %get3A_11 = arith.constant 0 : index
    %get3A_12 = arith.constant 0 : index
    %get3A_13 = vector.load %arg2[%get3A_11, %get3A_12] : memref<2048x2048xf32, #tpu.memory_space<vmem>>, vector<2048x2048xf32>
    %dot_general3A = arith.constant dense<0.000000e+00> : vector<4x2048xf32>
    %dot_general3A_14 = tpu.matmul %mul3A_10, %get3A_13, %dot_general3A {dimension_numbers = #tpu.dot_dimension_numbers<[1], [0], [0], [1], [0, 0, 1, 1], [], []>, transpose_lhs_hint = false} : vector<4x2048xf32>, vector<2048x2048xf32>, vector<4x2048xf32> -> vector<4x2048xf32>
    %get3A_15 = arith.constant 0 : index
    %get3A_16 = vector.load %arg3[%get3A_15] : memref<2048xf32, #tpu.memory_space<vmem>>, vector<2048xf32>
    %broadcast_in_dim3A = vector.shape_cast %get3A_16 : vector<2048xf32> to vector<1x2048xf32>
    %add3A_17 = vector.broadcast %broadcast_in_dim3A : vector<1x2048xf32> to vector<4x2048xf32>
    %add3A_18 = arith.addf %dot_general3A_14, %add3A_17 : vector<4x2048xf32>
    %mul3A_19 = arith.mulf %add3A_18, %add3A_18 : vector<4x2048xf32>
    %reduce_sum3A_20 = arith.constant dense<0.000000e+00> : vector<4xf32>
    %reduce_sum3A_21 = vector.multi_reduction <add>, %mul3A_19, %reduce_sum3A_20 [1] : vector<4x2048xf32> to vector<4xf32>
    %broadcast_in_dim3A_22 = vector.shape_cast %reduce_sum3A_21 : vector<4xf32> to vector<4x1xf32>
    %sqrt3A = math.sqrt %broadcast_in_dim3A_22 : vector<4x1xf32>
    %get3A_23 = arith.constant 0 : index
    %get3A_24 = arith.constant 0 : index
    %get3A_25 = vector.load %arg4[%get3A_23, %get3A_24] : memref<64x2048xf32, #tpu.memory_space<vmem>>, vector<64x2048xf32>
    %mul3A_26 = arith.mulf %get3A_25, %get3A_25 : vector<64x2048xf32>
    %reduce_sum3A_27 = arith.constant dense<0.000000e+00> : vector<64xf32>
    %reduce_sum3A_28 = vector.multi_reduction <add>, %mul3A_26, %reduce_sum3A_27 [1] : vector<64x2048xf32> to vector<64xf32>
    %broadcast_in_dim3A_29 = vector.shape_cast %reduce_sum3A_28 : vector<64xf32> to vector<64x1xf32>
    %sqrt3A_30 = math.sqrt %broadcast_in_dim3A_29 : vector<64x1xf32>
    %dot_general3A_31 = arith.constant dense<0.000000e+00> : vector<4x64xf32>
    %dot_general3A_32 = tpu.matmul %add3A_18, %get3A_25, %dot_general3A_31 {dimension_numbers = #tpu.dot_dimension_numbers<[1], [1], [0], [0], [0, 0, 1, 0], [], []>, transpose_lhs_hint = false} : vector<4x2048xf32>, vector<64x2048xf32>, vector<4x64xf32> -> vector<4x64xf32>
    %add3A_33 = arith.constant 9.99999993E-9 : f32
    %add3A_34 = vector.broadcast %add3A_33 : f32 to vector<4x1xf32>
    %add3A_35 = arith.addf %sqrt3A, %add3A_34 : vector<4x1xf32>
    %transpose3A = tpu.transpose %sqrt3A_30, [1, 0] : vector<64x1xf32> -> vector<1x64xf32>
    %add3A_36 = arith.constant 9.99999993E-9 : f32
    %add3A_37 = vector.broadcast %add3A_36 : f32 to vector<1x64xf32>
    %add3A_38 = arith.addf %transpose3A, %add3A_37 : vector<1x64xf32>
    %mul3A_39 = vector.broadcast %add3A_35 : vector<4x1xf32> to vector<4x64xf32>
    %mul3A_40 = vector.broadcast %add3A_38 : vector<1x64xf32> to vector<4x64xf32>
    %mul3A_41 = arith.mulf %mul3A_39, %mul3A_40 : vector<4x64xf32>
    %div3A = arith.divf %dot_general3A_32, %mul3A_41 : vector<4x64xf32>
    %reduce_max3A = arith.constant dense<0xFF800000> : vector<4xf32>
    %reduce_max3A_42 = vector.multi_reduction <maximumf>, %div3A, %reduce_max3A [1] : vector<4x64xf32> to vector<4xf32>
    %broadcast_in_dim3A_43 = vector.shape_cast %reduce_max3A_42 : vector<4xf32> to vector<4x1xf32>
    %iota3A = tpu.iota {dimensions = array<i32: 1>} : vector<4x64xi32>
    %eq3A = vector.broadcast %broadcast_in_dim3A_43 : vector<4x1xf32> to vector<4x64xf32>
    %eq3A_44 = arith.cmpf oeq, %div3A, %eq3A : vector<4x64xf32>
    %jit3A = arith.constant 64 : i32
    %broadcast_in_dim3A_45 = vector.broadcast %jit3A : i32 to vector<4x64xi32>
    %select_n3A = arith.select %eq3A_44, %iota3A, %broadcast_in_dim3A_45 : vector<4x64xi1>, vector<4x64xi32>
    %reduce_min3A = arith.constant dense<2147483647> : vector<4xi32>
    %reduce_min3A_46 = vector.multi_reduction <minsi>, %select_n3A, %reduce_min3A [1] : vector<4x64xi32> to vector<4xi32>
    %broadcast_in_dim3A_47 = vector.shape_cast %reduce_min3A_46 : vector<4xi32> to vector<4x1xi32>
    %eq3A_48 = vector.broadcast %broadcast_in_dim3A_47 : vector<4x1xi32> to vector<4x64xi32>
    %eq3A_49 = arith.cmpi eq, %iota3A, %eq3A_48 : vector<4x64xi32>
    %convert_element_type3A = arith.extui %eq3A_49 : vector<4x64xi1> to vector<4x64xi32>
    %convert_element_type3A_50 = arith.sitofp %convert_element_type3A : vector<4x64xi32> to vector<4x64xf32>
    %get3A_51 = arith.constant 0 : index
    %get3A_52 = arith.constant 0 : index
    %get3A_53 = vector.load %arg5[%get3A_51, %get3A_52] : memref<64x32xf32, #tpu.memory_space<vmem>>, vector<64x32xf32>
    %dot_general3A_54 = arith.constant dense<0.000000e+00> : vector<4x32xf32>
    %dot_general3A_55 = tpu.matmul %convert_element_type3A_50, %get3A_53, %dot_general3A_54 {dimension_numbers = #tpu.dot_dimension_numbers<[1], [0], [0], [1], [0, 0, 1, 1], [], []>, transpose_lhs_hint = false} : vector<4x64xf32>, vector<64x32xf32>, vector<4x32xf32> -> vector<4x32xf32>
    %logistic3A = arith.negf %broadcast_in_dim3A_43 : vector<4x1xf32>
    %logistic3A_56 = math.exp %logistic3A : vector<4x1xf32>
    %logistic3A_57 = arith.constant 1.000000e+00 : f32
    %logistic3A_58 = vector.broadcast %logistic3A_57 : f32 to vector<4x1xf32>
    %logistic3A_59 = arith.addf %logistic3A_58, %logistic3A_56 : vector<4x1xf32>
    %logistic3A_60 = arith.divf %logistic3A_58, %logistic3A_59 : vector<4x1xf32>
    %gt3A = arith.constant 8.000000e-01 : f32
    %gt3A_61 = vector.broadcast %gt3A : f32 to vector<4x1xf32>
    %gt3A_62 = arith.cmpf ogt, %logistic3A_60, %gt3A_61 : vector<4x1xf32>
    %broadcast_in_dim3A_63 = arith.constant 0.000000e+00 : f32
    %broadcast_in_dim3A_64 = vector.broadcast %broadcast_in_dim3A_63 : f32 to vector<4x32xf32>
    %broadcast_in_dim3A_65 = vector.shape_cast %gt3A_62 : vector<4x1xi1> to vector<4x1xi1>
    %broadcast_in_dim3A_66 = vector.broadcast %broadcast_in_dim3A_65 : vector<4x1xi1> to vector<4x32xi1>
    %select_n3A_67 = arith.select %broadcast_in_dim3A_66, %dot_general3A_55, %broadcast_in_dim3A_64 : vector<4x32xi1>, vector<4x32xf32>
    %swap3A = arith.constant 0 : index
    %swap3A_68 = arith.constant 0 : index
    %swap3A_69 = vector.load %arg6[%swap3A, %swap3A_68] : memref<4x32xf32, #tpu.memory_space<vmem>>, vector<4x32xf32>
    tpu.vector_store %arg6[%swap3A, %swap3A_68], %select_n3A_67 {strides = array<i32>} : memref<4x32xf32, #tpu.memory_space<vmem>>, vector<4x32xf32>,
    return
  }
}

</mosaic_0001>

<sc_bundles>
// kernel: kernel.5.cloned.1.call-start
scs
__scs_entry_jumppad:
0x0: {  	(pc) =	sbr.rel $0x88, $3  }
0x1: {  	(tag) =	ssettag $0x0;
	lr =	simm.s32 $0x1  }
0x2: {  	[smem:$0x3F9C] =	sst lr;
	_ =	strace $0xD0000000  }
0x3: {  	_ = 	snop  }
0x4: {  	_ = 	snop  }
0x5: {  	_ = 	snop  }
0x6: {  	_ = 	snop  }
0x7: {  	_ = 	snop  }
__scs_overlays_trampoline_lowered:
0x8: {  	[smem:$0x3FAB] =	sst s0  }
0x9: {  	[smem:$0x3FAC] =	sst s1  }
0xa: {  	[smem:$0x3FAD] =	sst s2  }
0xb: {  	[smem:$0x3FAE] =	sst s3  }
0xc: {  	[smem:$0x3FAF] =	sst s4  }
0xd: {  	[smem:$0x3FB0] =	sst s5  }
0xe: {  	[smem:$0x3FB1] =	sst s6  }
0xf: {  	[smem:$0x3FB2] =	sst s7  }
0x10: {  	[smem:$0x3FB3] =	sst s8  }
0x11: {  	[smem:$0x3FB4] =	sst s9;
	s0 =	simm.s32 @!p0 $0x0  }
0x12: {  	s1 =	sld [smem:$0x3F9A];
	s0 =	simm.s32 @p0 $0x1  }
0x13: {  	[smem:$0x3FB5] =	sst s0;
	s0 =	simm.s32 @!p1 $0x0  }
0x14: {  	s2 =	sld [smem:$0x3F99];
	s0 =	simm.s32 @p1 $0x1  }
0x15: {  	[smem:$0x3FB6] =	sst s0;
	s0 =	simm.s32 @!p2 $0x0  }
0x16: {  	s3 =	sld [smem:$0x3FDB];
	s0 =	simm.s32 @p2 $0x1  }
0x17: {  	s4 =	simm.s32 $0x1BF5;
	[smem:$0x3FB8] =	sst s0  }
0x18: {  	s0 =	sld [smem:$0x3F9B];
	_ =	swait.ge [sflag:s4], $0x0  }
0x19: {  	s7 =	sld [smem:$0x3F9C]  }
0x1a: {  	s8 =	sadd.s32 $0xFFFFE003, lr  }
0x1b: {  	s9 =	sadd.s32 $0xFFFFFEF7, lr;
	s5 =	simm.s32 $0xFFFFFFFF;
	p2 =	slt.u32 s8, $0xFFFFF086  }
0x1c: {  	p1 =	slt.u32 s9, $0xF7A;
	s5 =	simm.s32 @!p2 $0x0  }
0x1d: {  	s5 =	simm.s32 @p1 $0x1;
	p0 =	seq.s32 s7, s2  }
0x1e: {  	s7 =	smul.u32 @!p0 $0xF7A, s2;
	p2 =	seq.s32 @!p0 s5, $0x0  }
0x1f: {  	s9 =	smul.u32 $0xF7A, s1;
	s8 =	simm.s32 @!p0 $0x1BF5;
	p2 =	por !p2, p0  }
0x20: {  	[sflag:s8] =	ssyncset.s32 @!p0 $0xFFFFF086;
	s6 =	sadd.s32 @!p0 s3, s7;
	s7 =	simm.s32 @!p0 $0x108  }
0x21: {  	s3 =	sadd.s32 s3, s9;
	s6 =	sadd.s32 @!p0 $0x88, s6;
	s7 =	simm.s32 @p2 $0x1082  }
0x22: {  	[simem:s7], [sflag:s8] =	dma.local @!p0 [hbm:s6], $0xF7A  }
0x23: {  	s9 =	sor.u32 $0xD0000000, s2;
	s6 =	simm.s32 $0x108;
	_ =	swait.ge @!p0 [sflag:s8], $0x0  }
0x24: {  	s3 =	sadd.s32 $0x88, s3;
	s6 =	simm.s32 @!p1 $0x1082;
	[sflag:s4] =	ssyncset.s32 $0xFFFFF086  }
0x25: {  	[simem:s6], [sflag:s4] =	dma.local [hbm:s3], $0xF7A  }
0x26: {  	[smem:$0x3F9C] =	sst s1;
	(tag) =	ssettag s2;
	_ =	strace s9  }
0x27: {  	s1 =	sld [smem:$0x3FAC]  }
0x28: {  	s2 =	sld [smem:$0x3FAD]  }
0x29: {  	s4 =	sld [smem:$0x3FAF]  }
0x2a: {  	p0 =	seq.s32 s5, $0x0;
	s5 =	sld [smem:$0x3FB0]  }
0x2b: {  	s6 =	sld [smem:$0x3FB1]  }
0x2c: {  	s7 =	sld [smem:$0x3FB2]  }
0x2d: {  	s3 =	simm.s32 $0x108;
	s8 =	sld [smem:$0x3FB3]  }
0x2e: {  	s3 =	simm.s32 @!p0 $0x1082;
	s9 =	sld [smem:$0x3FB4]  }
0x2f: {  	lr =	sadd.s32 s0, s3;
	s0 =	sld [smem:$0x3FAB]  }
0x30: {  	s3 =	sld [smem:$0x3FAE]  }
0x31: {  	[smem:$0x3FB7] =	sst s10  }
0x32: {  	s10 =	sld [smem:$0x3FB5];
	_ =	sdelay $0x3  }
0x33: {  	p0 =	seq.s32 s10, $0x1;
	s10 =	sld [smem:$0x3FB7];
	_ =	sdelay $0x3  }
0x34: {  	[smem:$0x3FB7] =	sst s10  }
0x35: {  	s10 =	sld [smem:$0x3FB6];
	_ =	sdelay $0x3  }
0x36: {  	p1 =	seq.s32 s10, $0x1;
	s10 =	sld [smem:$0x3FB7];
	_ =	sdelay $0x3  }
0x37: {  	[smem:$0x3FB7] =	sst s10  }
0x38: {  	s10 =	sld [smem:$0x3FB8]  }
0x39: {  	_ = 	snop;
	(pc) =	sbr.ind lr, $3  }
0x3a: {  	_ = 	snop  }
0x3b: {  	_ = 	snop  }
0x3c: {  	p2 =	seq.s32 s10, $0x1;
	s10 =	sld [smem:$0x3FB7]  }
0x3d: {  	_ =	shalt  }
0x3e: {  	_ =	shalt  }
0x3f: {  	_ =	shalt  }
0x40: {  	_ =	shalt  }
0x41: {  	_ =	shalt  }
0x42: {  	_ =	shalt  }
0x43: {  	_ =	shalt  }
0x44: {  	_ =	shalt  }
0x45: {  	_ =	shalt  }
0x46: {  	_ =	shalt  }
0x47: {  	_ =	shalt  }
0x48: {  	_ =	shalt  }
0x49: {  	_ =	shalt  }
0x4a: {  	_ =	shalt  }
0x4b: {  	_ =	shalt  }
0x4c: {  	_ =	shalt  }
0x4d: {  	_ =	shalt  }
0x4e: {  	_ =	shalt  }
0x4f: {  	_ =	shalt  }
0x50: {  	_ =	shalt  }
0x51: {  	_ =	shalt  }
0x52: {  	_ =	shalt  }
0x53: {  	_ =	shalt  }
0x54: {  	_ =	shalt  }
0x55: {  	_ =	shalt  }
0x56: {  	_ =	shalt  }
0x57: {  	_ =	shalt  }
0x58: {  	_ =	shalt  }
0x59: {  	_ =	shalt  }
0x5a: {  	_ =	shalt  }
0x5b: {  	_ =	shalt  }
0x5c: {  	_ =	shalt  }
0x5d: {  	_ =	shalt  }
0x5e: {  	_ =	shalt  }
0x5f: {  	_ =	shalt  }
0x60: {  	_ =	shalt  }
0x61: {  	_ =	shalt  }
0x62: {  	_ =	shalt  }
0x63: {  	_ =	shalt  }
0x64: {  	_ =	shalt  }
0x65: {  	_ =	shalt  }
0x66: {  	_ =	shalt  }
0x67: {  	_ =	shalt  }
0x68: {  	_ =	shalt  }
0x69: {  	_ =	shalt  }
0x6a: {  	_ =	shalt  }
0x6b: {  	_ =	shalt  }
0x6c: {  	_ =	shalt  }
0x6d: {  	_ =	shalt  }
0x6e: {  	_ =	shalt  }
0x6f: {  	_ =	shalt  }
0x70: {  	_ =	shalt  }
0x71: {  	_ =	shalt  }
0x72: {  	_ =	shalt  }
0x73: {  	_ =	shalt  }
0x74: {  	_ =	shalt  }
0x75: {  	_ =	shalt  }
0x76: {  	_ =	shalt  }
0x77: {  	_ =	shalt  }
0x78: {  	_ =	shalt  }
0x79: {  	_ =	shalt  }
0x7a: {  	_ =	shalt  }
0x7b: {  	_ =	shalt  }
0x7c: {  	_ =	shalt  }
0x7d: {  	_ =	shalt  }
0x7e: {  	_ =	shalt  }
0x7f: {  	_ =	shalt  }
0x80: {  	_ =	shalt  }
0x81: {  	_ =	shalt  }
0x82: {  	_ =	shalt  }
0x83: {  	_ =	shalt  }
0x84: {  	_ =	shalt  }
0x85: {  	_ =	shalt  }
0x86: {  	_ =	shalt  }
0x87: {  	_ =	shalt  }
.Lfunc_end0:
.L_simem_size_0:
called_computation_lowered:
.L_overlay_start_0:
0x88: {  	s2 =	sld [smem:$0x3FD9]  }
0x89: {  	s3 =	sld [smem:$0x3FFE];
	_ =	sdelay $0x1  }
0x8a: {  	s1 =	srdreg.scid  }
0x8b: {  	s0 =	sand.u32 $0x1, s1  }
0x8c: {  	s17 =	sshll.u32 s0, $0xA;
	s2 =	sadd.s32 s3, s2  }
0x8d: {  	s2 =	sadd.s32 s2, s17  }
0x8e: {  	[smem:$0x3FC3] =	sst s2  }
0x8f: {  	_ = 	snop  }
0x90: {  	s2 =	sld [smem:$0x3FC9];
	(tm) =	ssettm $0x1  }
0x91: {  	s18 =	sld [smem:$0x3FFB];
	_ =	sdelay $0x3  }
0x92: {  	_ =	strace s18  }
0x93: {  	s3 =	sld [smem:$0x3FFC];
	_ =	sdelay $0x3  }
0x94: {  	_ =	strace s3  }
0x95: {  	s3 =	sld [smem:$0x3FFD];
	_ =	sdelay $0x3  }
0x96: {  	_ =	strace s3  }
0x97: {  	_ =	strace $0x8FFFFFFF  }
0x98: {  	s19 =	sld [smem:$0x3FDB];
	_ =	sdelay $0x1  }
0x99: {  	s4 =	simm.s32 $_scs_section_size  }
0x9a: {  	s5 =	simm.s32 $_size__tile_overlayer_lowered;
	s6 =	simm.s32 $_tile_overlayer_lowered  }
0x9b: {  	s22 =	simm.s32 $0x1BFF;
	s21 =	sshll.u32 s6, $0x1;
	s3 =	sadd.s32 s4, s19  }
0x9c: {  	s7 =	simm.s32 $0x0;
	s20 =	sshll.u32 s5, $0x1;
	s5 =	sadd.s32 s21, s3  }
0x9d: {  	[timem:s7], [sflag:s22] =	dma.local [hbm:s5], s20  }
0x9e: {  	_ =	swait.ge [sflag:s22], s20  }
0x9f: {  	s4 =	ssub.s32 $0x0, s20;
	[sflag:s22] =	ssyncset.done $0x0  }
0xa0: {  	[sflag:s22] =	ssyncadd.s32 s4;
	_ =	sdelay $0x1  }
0xa1: {  	s23 =	simm.s32 $0x1B8B  }
0xa2: {  	_ =	swait.ge [sflag:s23], $0x1  }
0xa3: {  	[sflag:s23] =	ssyncset.done $0x0  }
0xa4: {  	s25 =	simm.s32 $0x1B8E;
	s24 =	sld [smem:$0x3FFE];
	[sflag:s23] =	ssyncadd.s32 $0xFFFFFFFF  }
0xa5: {  	s26 =	simm.s32 $execute0_lowered;
	[smem:$0x3FD2] =	sst s25  }
0xa6: {  	s5 =	sshll.u32 s26, $0x1;
	_ =	strace $0x80000046;
	[dreg:$0x1] =	wrdreg $0xFFFFFFFF  }
0xa7: {  	s28 =	simm.s32 $_size_execute0_lowered;
	s3 =	sadd.s32 s3, s5;
	[dreg:$0x0] =	wrdreg $0x0  }
0xa8: {  	s5 =	sshll.u32 s28, $0x1;
	[dreg:$0x2] =	wrdreg s3  }
0xa9: {  	[dreg:$0x3] =	wrdreg s5  }
0xaa: {  	[dreg:$0x4] =	wrdreg $0xC0  }
0xab: {  	_ =	task [dreg:s7], $0x5FFFF  }
0xac: {  	[dreg:$0x1] =	wrdreg $0xFFFFFFFF  }
0xad: {  	[dreg:$0x0] =	wrdreg $0x60  }
0xae: {  	[dreg:$0x2] =	wrdreg s2  }
0xaf: {  	[dreg:$0x3] =	wrdreg s24  }
0xb0: {  	[dreg:$0x4] =	wrdreg $0x9  }
0xb1: {  	_ =	task.clear_ibuf [dreg:s7], $0x5FFFF;
	_ =	strace $0x90000046  }
0xb2: {  	s29 =	simm.s32 $0x9;
	_ =	strace $0x80000048  }
0xb3: {  	_ =	swait.ge [sflag:s29], $0x1  }
0xb4: {  	[sflag:s29] =	ssyncadd.s32 $0xFFFFFFFF  }
0xb5: {  	_ =	strace $0x90000048  }
0xb6: {  	_ =	sfence  }
0xb7: {  	s30 =	sld [smem:$0x0];
	_ =	sdelay $0x2  }
0xb8: {  	s31 =	sshll.u32 s1, $0xD;
	s1 =	sshrl.u32 s1, $0x2  }
0xb9: {  	s3 =	sand.u32 $0x4000, s31;
	s1 =	sadd.s32 s1, s30  }
0xba: {  	s0 =	sor.u32 s3, s0;
	s1 =	sshll.u32 s1, $0x11  }
0xbb: {  	s0 =	sor.u32 s1, s0  }
0xbc: {  	s0 =	sadd.s32 $0x8F2B, s0  }
0xbd: {  	[sflag:s0] =	ssyncadd.remote.s32 $0x1  }
0xbe: {  	_ =	sfence.sel $0xFFFF  }
0xbf: {  	[dreg:$0x0] =	wrdreg $0xFFFFFFFF;
	(pc) =	sbr.abs _section_cstart, $3  }
0xc0: {  	[dreg:$0x1] =	wrdreg $0xFFFFFFFF  }
0xc1: {  	_ =	task.clear_ibuf [dreg:s7], $0x2FFFF;
	_ =	strace $0x9FFFFFFF  }
0xc2: {  	(tm) =	ssettm $0x7FFFFFFF  }
0xc3: {  	_ =	shalt  }
tec
execute0_lowered:
.L_overlay_start_1:
0x0: {  	(tag) =	ssettag $0x1  }
0x1: {  	s3 =	rddreg [dreg:$0x0]  }
0x2: {  	s4 =	rddreg [dreg:$0x1]  }
0x3: {  	s0 =	rddreg [dreg:$0x2]  }
0x4: {  	s2 =	simm.s32 $0x0;
	s1 =	stileid.u32;
	s5 =	srdreg.scid  }
0x5: {  	s10 =	simm.s32 $0x1;
	s11 =	simm.s32 $0x2;
	s12 =	simm.s32 $0x80  }
0x6: {  	s13 =	simm.s32 $0x400;
	s14 =	simm.s32 $0x10000;
	s15 =	simm.s32 $0x3  }
0x7: {  	s16 =	simm.s32 $0x0;
	[smem:$0x7FF] =	sst s2;
	s5 =	sand.u32 $0x1, s5  }
0x8: {  	s6 =	sshll.u32 s1, $0x1;
	s7 =	sshll.u32 s1, $0x9;
	s8 =	sshll.u32 s1, $0x12  }
0x9: {  	_ =	strace $0x80000047;
	s6 =	sor.u32 s5, s6;
	s7 =	sand.u32 $0x1800, s7  }
0xa: {  	s26 =	ssub.s32 $0x2, s5;
	s9 =	sshll.u32 s6, $0xE;
	s7 =	sadd.s32 s7, s4  }
0xb: {  	s29 =	sshrl.u32 s26, $0x1;
	s6 =	sshll.u32 s6, $0x4;
	s28 =	sor.u32 s8, s9  }
0xc: {  	s8 =	ssub.s32 s26, s29;
	s31 =	sand.u32 $0x70, s6;
	s5 =	sand.u32 $0x31C000, s28  }
0xd: {  	s9 =	simm.s32 $0x8000;
	s7 =	sadd.s32 s31, s7;
	s30 =	sadd.s32 s5, s3  }
0xe: {  	s8 =	smax.u32 s8, $0x1;
	s7 =	sadd.s32 $0xE00, s7;
	s3 =	sadd.s32 $0xE0000, s30  }
0xf: {  	v0 =	vimm.f32 $0.0e+00;
	s4 =	sadd.s32 $0xE1000, s30;
	s5 =	sadd.s32 $0xE2000, s30;
	s6 =	sadd.s32 $0xE3000, s30  }
.LBB2_1:
0x10: {  	[tilespmem:s2], [sflag:$0x1] =	stream.linear.gather [hbm4b:s3+s2], $0x8000, $0x38;
	[tilespmem:$0x10800] =	vst v63  }
0x11: {  	s17 =	simm.s32 $0x40;
	s18 =	simm.s32 $0x0  }
.LBB2_2:
0x12: {  	p0 =	sne.s32 s17, $0x1FC0;
	[tilespmem:s18+$0x10000] =	vst v0;
	s18 =	smov.u32 s17;
	s17 =	sadd.s32 $0x40, s17  }
.Ltmp0:
0x13: {  	(pc) =	sbr.rel @p0 .LBB2_2-.Ltmp0, $2  }
0x14: {  	_ =	sdelay $0x2  }
0x15: {  	s18 =	sshra.s32 s18, $0x2  }
0x16: {  	[tilespmem:s18+$0x10000] =	vst v0;
	s17 =	simm.s32 $0x0  }
0x17: {  	[tilespmem:s9], [sflag:$0x2] =	stream.linear.gather [hbm4b:s4+s17], $0x8000, $0x38;
	[tilespmem:$0x10800] =	vst v63  }
0x18: {  	_ =	swait.ge [sflag:s10], $0x8000  }
0x19: {  	s30 =	sand.u32 $0x70, s17;
	s19 =	sand.u32 $0x3C00, s17;
	[sflag:s10] =	ssyncset.done $0x0  }
0x1a: {  	s19 =	sor.u32 s30, s19;
	[sflag:s10] =	ssyncadd.s32 $0xFFFF8000  }
0x1b: {  	s18 =	simm.s32 $0x10000;
	v1 =	vld [tilespmem:s19+$0x0]  }
0x1c: {  	v2 =	vld [tilespmem:s18+$0x0];
	_ =	sdelay $0x1  }
0x1d: {  	v3 =	vld [tilespmem:s19+$0x80];
	_ =	sdelay $0x1  }
0x1e: {  	v4 =	vld [tilespmem:s19+$0x100]  }
0x1f: {  	v1 =	vadd.f32 v1, v2  }
0x20: {  	v2 =	vld [tilespmem:s19+$0x180]  }
0x21: {  	v1 =	vadd.f32 v3, v1  }
0x22: {  	v3 =	vld [tilespmem:s19+$0x200]  }
0x23: {  	v1 =	vadd.f32 v4, v1  }
0x24: {  	s20 =	sand.u32 $0x7, s17;
	v60 =	vld [tilespmem:s19+$0x280]  }
0x25: {  	s20 =	sshll.u32 s20, $0x4;
	v1 =	vadd.f32 v2, v1  }
0x26: {  	s20 =	sadd.s32 $0x0, s20;
	v2 =	vld [tilespmem:s19+$0x300]  }
0x27: {  	s20 =	sor.u32 $0x380, s20;
	v1 =	vadd.f32 v3, v1  }
0x28: {  	v3 =	vld [tilespmem:s20+$0x0]  }
0x29: {  	v1 =	vadd.f32 v60, v1  }
0x2a: {  	v61 =	vld [tilespmem:s19+$0x4000]  }
0x2b: {  	v1 =	vadd.f32 v2, v1  }
0x2c: {  	v2 =	vld [tilespmem:s19+$0x4080]  }
0x2d: {  	v1 =	vadd.f32 v3, v1  }
0x2e: {  	v3 =	vld [tilespmem:s19+$0x4100]  }
0x2f: {  	v1 =	vadd.f32 v61, v1  }
0x30: {  	v62 =	vld [tilespmem:s19+$0x4180]  }
0x31: {  	v1 =	vadd.f32 v2, v1  }
0x32: {  	v2 =	vld [tilespmem:s19+$0x4200]  }
0x33: {  	v1 =	vadd.f32 v3, v1  }
0x34: {  	v3 =	vld [tilespmem:s19+$0x4280]  }
0x35: {  	v1 =	vadd.f32 v62, v1  }
0x36: {  	v63 =	vld [tilespmem:s19+$0x4300]  }
0x37: {  	v1 =	vadd.f32 v2, v1  }
0x38: {  	v2 =	vld [tilespmem:s19+$0x4380]  }
0x39: {  	v1 =	vadd.f32 v3, v1;
	_ =	sdelay $0x1  }
0x3a: {  	v1 =	vadd.f32 v63, v1;
	_ =	sdelay $0x1  }
0x3b: {  	s31 =	simm.s32 $0x10;
	s20 =	simm.s32 $0x80;
	v1 =	vadd.f32 v2, v1  }
0x3c: {  	s21 =	sand.u32 $0x3C00, s20;
	s19 =	sand.u32 $0x70, s31  }
0x3d: {  	s19 =	sor.u32 s19, s21;
	s21 =	simm.s32 $0x20;
	[tilespmem:s18+$0x0] =	vst v1  }
.LBB2_4:
0x3e: {  	p0 =	sne.s32 s21, $0x7F0;
	v1 =	vld [tilespmem:s19+$0x0];
	s18 =	sadd.s32 $0x10, s18  }
0x3f: {  	v2 =	vld [tilespmem:s18+$0x0];
	_ =	sdelay $0x1  }
0x40: {  	v3 =	vld [tilespmem:s19+$0x80];
	_ =	sdelay $0x1  }
0x41: {  	v4 =	vld [tilespmem:s19+$0x100]  }
0x42: {  	v1 =	vadd.f32 v1, v2  }
0x43: {  	v2 =	vld [tilespmem:s19+$0x180]  }
0x44: {  	v1 =	vadd.f32 v3, v1  }
0x45: {  	v3 =	vld [tilespmem:s19+$0x200]  }
0x46: {  	s17 =	sadd.s32 $0x1, s17;
	v1 =	vadd.f32 v4, v1  }
0x47: {  	s22 =	sand.u32 $0x7, s17;
	v4 =	vld [tilespmem:s19+$0x280]  }
0x48: {  	s22 =	sshll.u32 s22, $0x4;
	v1 =	vadd.f32 v2, v1  }
0x49: {  	s22 =	sadd.s32 s22, s20;
	v2 =	vld [tilespmem:s19+$0x300]  }
0x4a: {  	s22 =	sor.u32 $0x380, s22;
	v1 =	vadd.f32 v3, v1  }
0x4b: {  	v3 =	vld [tilespmem:s22+$0x0]  }
0x4c: {  	v1 =	vadd.f32 v4, v1  }
0x4d: {  	v4 =	vld [tilespmem:s19+$0x4000]  }
0x4e: {  	v1 =	vadd.f32 v2, v1  }
0x4f: {  	v2 =	vld [tilespmem:s19+$0x4080]  }
0x50: {  	v1 =	vadd.f32 v3, v1  }
0x51: {  	v3 =	vld [tilespmem:s19+$0x4100]  }
0x52: {  	v1 =	vadd.f32 v4, v1  }
0x53: {  	v4 =	vld [tilespmem:s19+$0x4180]  }
0x54: {  	v1 =	vadd.f32 v2, v1  }
0x55: {  	v2 =	vld [tilespmem:s19+$0x4200]  }
0x56: {  	v1 =	vadd.f32 v3, v1  }
0x57: {  	v3 =	vld [tilespmem:s19+$0x4280]  }
0x58: {  	v1 =	vadd.f32 v4, v1  }
0x59: {  	v4 =	vld [tilespmem:s19+$0x4300]  }
0x5a: {  	v1 =	vadd.f32 v2, v1  }
0x5b: {  	v2 =	vld [tilespmem:s19+$0x4380]  }
0x5c: {  	v1 =	vadd.f32 v3, v1;
	_ =	sdelay $0x1  }
.Ltmp1:
0x5d: {  	v1 =	vadd.f32 v4, v1;
	(pc) =	sbr.rel @p0 .LBB2_4-.Ltmp1, $4  }
0x5e: {  	_ = 	snop  }
0x5f: {  	s20 =	sadd.s32 $0x80, s20;
	v1 =	vadd.f32 v2, v1  }
0x60: {  	s22 =	sand.u32 $0x3C00, s20;
	s19 =	sand.u32 $0x70, s21  }
0x61: {  	s21 =	sadd.s32 $0x10, s21;
	s19 =	sor.u32 s19, s22;
	[tilespmem:s18+$0x0] =	vst v1  }
0x62: {  	v1 =	vld [tilespmem:s19+$0x0];
	s18 =	sadd.s32 $0x10, s18  }
0x63: {  	v2 =	vld [tilespmem:s18+$0x0];
	_ =	sdelay $0x1  }
0x64: {  	v3 =	vld [tilespmem:s19+$0x80];
	_ =	sdelay $0x1  }
0x65: {  	v4 =	vld [tilespmem:s19+$0x100]  }
0x66: {  	v1 =	vadd.f32 v1, v2  }
0x67: {  	v2 =	vld [tilespmem:s19+$0x180]  }
0x68: {  	v1 =	vadd.f32 v3, v1  }
0x69: {  	v3 =	vld [tilespmem:s19+$0x200]  }
0x6a: {  	s17 =	sadd.s32 $0x1, s17;
	v1 =	vadd.f32 v4, v1  }
0x6b: {  	v55 =	vld [tilespmem:s19+$0x280];
	s17 =	sand.u32 $0x7, s17  }
0x6c: {  	s17 =	sshll.u32 s17, $0x4;
	v1 =	vadd.f32 v2, v1  }
0x6d: {  	s17 =	sadd.s32 s17, s20;
	v2 =	vld [tilespmem:s19+$0x300]  }
0x6e: {  	s17 =	sor.u32 $0x380, s17;
	v1 =	vadd.f32 v3, v1  }
0x6f: {  	v3 =	vld [tilespmem:s17+$0x0]  }
0x70: {  	v1 =	vadd.f32 v55, v1  }
0x71: {  	v56 =	vld [tilespmem:s19+$0x4000]  }
0x72: {  	v1 =	vadd.f32 v2, v1  }
0x73: {  	v2 =	vld [tilespmem:s19+$0x4080]  }
0x74: {  	v1 =	vadd.f32 v3, v1  }
0x75: {  	v3 =	vld [tilespmem:s19+$0x4100]  }
0x76: {  	v1 =	vadd.f32 v56, v1  }
0x77: {  	v57 =	vld [tilespmem:s19+$0x4180]  }
0x78: {  	v1 =	vadd.f32 v2, v1  }
0x79: {  	v2 =	vld [tilespmem:s19+$0x4200]  }
0x7a: {  	v1 =	vadd.f32 v3, v1  }
0x7b: {  	v3 =	vld [tilespmem:s19+$0x4280]  }
0x7c: {  	v1 =	vadd.f32 v57, v1  }
0x7d: {  	v58 =	vld [tilespmem:s19+$0x4300]  }
0x7e: {  	v1 =	vadd.f32 v2, v1  }
0x7f: {  	v2 =	vld [tilespmem:s19+$0x4380]  }
0x80: {  	v1 =	vadd.f32 v3, v1;
	_ =	sdelay $0x1  }
0x81: {  	v1 =	vadd.f32 v58, v1;
	_ =	sdelay $0x1  }
0x82: {  	v1 =	vadd.f32 v2, v1;
	_ =	sdelay $0x1  }
0x83: {  	s17 =	simm.s32 $0x0;
	[tilespmem:s18+$0x0] =	vst v1  }
0x84: {  	[tilespmem:s17], [sflag:$0x1] =	stream.linear.gather [hbm4b:s5+s17], $0x8000, $0x38;
	[tilespmem:$0x10800] =	vst v63  }
0x85: {  	_ =	swait.ge [sflag:s11], $0x8000  }
0x86: {  	s28 =	sand.u32 $0x70, s17;
	s29 =	sand.u32 $0x3C00, s17;
	[sflag:s11] =	ssyncset.done $0x0  }
0x87: {  	s19 =	sor.u32 s28, s29;
	[sflag:s11] =	ssyncadd.s32 $0xFFFF8000  }
0x88: {  	s18 =	simm.s32 $0x10000;
	v1 =	vld [tilespmem:s19+$0x8000]  }
0x89: {  	v2 =	vld [tilespmem:s18+$0x0];
	_ =	sdelay $0x1  }
0x8a: {  	v3 =	vld [tilespmem:s19+$0x8080];
	_ =	sdelay $0x1  }
0x8b: {  	v59 =	vld [tilespmem:s19+$0x8100]  }
0x8c: {  	v1 =	vadd.f32 v1, v2  }
0x8d: {  	v2 =	vld [tilespmem:s19+$0x8180]  }
0x8e: {  	v1 =	vadd.f32 v3, v1  }
0x8f: {  	v3 =	vld [tilespmem:s19+$0x8200]  }
0x90: {  	v1 =	vadd.f32 v59, v1  }
0x91: {  	s30 =	sand.u32 $0x7, s17;
	v60 =	vld [tilespmem:s19+$0x8280]  }
0x92: {  	s20 =	sshll.u32 s30, $0x4;
	v1 =	vadd.f32 v2, v1  }
0x93: {  	s20 =	sadd.s32 $0x0, s20;
	v2 =	vld [tilespmem:s19+$0x8300]  }
0x94: {  	s20 =	sor.u32 $0x380, s20;
	v1 =	vadd.f32 v3, v1  }
0x95: {  	v3 =	vld [tilespmem:s20+$0x8000]  }
0x96: {  	v1 =	vadd.f32 v60, v1  }
0x97: {  	v61 =	vld [tilespmem:s19+$0xC000]  }
0x98: {  	v1 =	vadd.f32 v2, v1  }
0x99: {  	v2 =	vld [tilespmem:s19+$0xC080]  }
0x9a: {  	v1 =	vadd.f32 v3, v1  }
0x9b: {  	v3 =	vld [tilespmem:s19+$0xC100]  }
0x9c: {  	v1 =	vadd.f32 v61, v1  }
0x9d: {  	v62 =	vld [tilespmem:s19+$0xC180]  }
0x9e: {  	v1 =	vadd.f32 v2, v1  }
0x9f: {  	v2 =	vld [tilespmem:s19+$0xC200]  }
0xa0: {  	v1 =	vadd.f32 v3, v1  }
0xa1: {  	v3 =	vld [tilespmem:s19+$0xC280]  }
0xa2: {  	v1 =	vadd.f32 v62, v1  }
0xa3: {  	v63 =	vld [tilespmem:s19+$0xC300]  }
0xa4: {  	v1 =	vadd.f32 v2, v1  }
0xa5: {  	v2 =	vld [tilespmem:s19+$0xC380]  }
0xa6: {  	v1 =	vadd.f32 v3, v1;
	_ =	sdelay $0x1  }
0xa7: {  	v1 =	vadd.f32 v63, v1;
	_ =	sdelay $0x1  }
0xa8: {  	s31 =	simm.s32 $0x10;
	s20 =	simm.s32 $0x80;
	v1 =	vadd.f32 v2, v1  }
0xa9: {  	s21 =	sand.u32 $0x3C00, s20;
	s19 =	sand.u32 $0x70, s31  }
0xaa: {  	s19 =	sor.u32 s19, s21;
	s21 =	simm.s32 $0x20;
	[tilespmem:s18+$0x0] =	vst v1  }
.LBB2_6:
0xab: {  	p0 =	sne.s32 s21, $0x7F0;
	v1 =	vld [tilespmem:s19+$0x8000];
	s18 =	sadd.s32 $0x10, s18  }
0xac: {  	v2 =	vld [tilespmem:s18+$0x0];
	_ =	sdelay $0x1  }
0xad: {  	v3 =	vld [tilespmem:s19+$0x8080];
	_ =	sdelay $0x1  }
0xae: {  	v4 =	vld [tilespmem:s19+$0x8100]  }
0xaf: {  	v1 =	vadd.f32 v1, v2  }
0xb0: {  	v2 =	vld [tilespmem:s19+$0x8180]  }
0xb1: {  	v1 =	vadd.f32 v3, v1  }
0xb2: {  	v3 =	vld [tilespmem:s19+$0x8200]  }
0xb3: {  	s17 =	sadd.s32 $0x1, s17;
	v1 =	vadd.f32 v4, v1  }
0xb4: {  	s22 =	sand.u32 $0x7, s17;
	v4 =	vld [tilespmem:s19+$0x8280]  }
0xb5: {  	s22 =	sshll.u32 s22, $0x4;
	v1 =	vadd.f32 v2, v1  }
0xb6: {  	s22 =	sadd.s32 s22, s20;
	v2 =	vld [tilespmem:s19+$0x8300]  }
0xb7: {  	s22 =	sor.u32 $0x380, s22;
	v1 =	vadd.f32 v3, v1  }
0xb8: {  	v3 =	vld [tilespmem:s22+$0x8000]  }
0xb9: {  	v1 =	vadd.f32 v4, v1  }
0xba: {  	v4 =	vld [tilespmem:s19+$0xC000]  }
0xbb: {  	v1 =	vadd.f32 v2, v1  }
0xbc: {  	v2 =	vld [tilespmem:s19+$0xC080]  }
0xbd: {  	v1 =	vadd.f32 v3, v1  }
0xbe: {  	v3 =	vld [tilespmem:s19+$0xC100]  }
0xbf: {  	v1 =	vadd.f32 v4, v1  }
0xc0: {  	v4 =	vld [tilespmem:s19+$0xC180]  }
0xc1: {  	v1 =	vadd.f32 v2, v1  }
0xc2: {  	v2 =	vld [tilespmem:s19+$0xC200]  }
0xc3: {  	v1 =	vadd.f32 v3, v1  }
0xc4: {  	v3 =	vld [tilespmem:s19+$0xC280]  }
0xc5: {  	v1 =	vadd.f32 v4, v1  }
0xc6: {  	v4 =	vld [tilespmem:s19+$0xC300]  }
0xc7: {  	v1 =	vadd.f32 v2, v1  }
0xc8: {  	v2 =	vld [tilespmem:s19+$0xC380]  }
0xc9: {  	v1 =	vadd.f32 v3, v1;
	_ =	sdelay $0x1  }
.Ltmp2:
0xca: {  	v1 =	vadd.f32 v4, v1;
	(pc) =	sbr.rel @p0 .LBB2_6-.Ltmp2, $4  }
0xcb: {  	_ = 	snop  }
0xcc: {  	s20 =	sadd.s32 $0x80, s20;
	v1 =	vadd.f32 v2, v1  }
0xcd: {  	s22 =	sand.u32 $0x3C00, s20;
	s19 =	sand.u32 $0x70, s21  }
0xce: {  	s21 =	sadd.s32 $0x10, s21;
	s19 =	sor.u32 s19, s22;
	[tilespmem:s18+$0x0] =	vst v1  }
0xcf: {  	v1 =	vld [tilespmem:s19+$0x8000];
	s18 =	sadd.s32 $0x10, s18  }
0xd0: {  	v2 =	vld [tilespmem:s18+$0x0];
	_ =	sdelay $0x1  }
0xd1: {  	v3 =	vld [tilespmem:s19+$0x8080];
	_ =	sdelay $0x1  }
0xd2: {  	v4 =	vld [tilespmem:s19+$0x8100]  }
0xd3: {  	v1 =	vadd.f32 v1, v2  }
0xd4: {  	v2 =	vld [tilespmem:s19+$0x8180]  }
0xd5: {  	v1 =	vadd.f32 v3, v1  }
0xd6: {  	v3 =	vld [tilespmem:s19+$0x8200]  }
0xd7: {  	s17 =	sadd.s32 $0x1, s17;
	v1 =	vadd.f32 v4, v1  }
0xd8: {  	v55 =	vld [tilespmem:s19+$0x8280];
	s17 =	sand.u32 $0x7, s17  }
0xd9: {  	s17 =	sshll.u32 s17, $0x4;
	v1 =	vadd.f32 v2, v1  }
0xda: {  	s17 =	sadd.s32 s17, s20;
	v2 =	vld [tilespmem:s19+$0x8300]  }
0xdb: {  	s17 =	sor.u32 $0x380, s17;
	v1 =	vadd.f32 v3, v1  }
0xdc: {  	v3 =	vld [tilespmem:s17+$0x8000]  }
0xdd: {  	v1 =	vadd.f32 v55, v1  }
0xde: {  	v56 =	vld [tilespmem:s19+$0xC000]  }
0xdf: {  	v1 =	vadd.f32 v2, v1  }
0xe0: {  	v2 =	vld [tilespmem:s19+$0xC080]  }
0xe1: {  	v1 =	vadd.f32 v3, v1  }
0xe2: {  	v3 =	vld [tilespmem:s19+$0xC100]  }
0xe3: {  	v1 =	vadd.f32 v56, v1  }
0xe4: {  	v57 =	vld [tilespmem:s19+$0xC180]  }
0xe5: {  	v1 =	vadd.f32 v2, v1  }
0xe6: {  	v2 =	vld [tilespmem:s19+$0xC200]  }
0xe7: {  	v1 =	vadd.f32 v3, v1  }
0xe8: {  	v3 =	vld [tilespmem:s19+$0xC280]  }
0xe9: {  	v1 =	vadd.f32 v57, v1  }
0xea: {  	v58 =	vld [tilespmem:s19+$0xC300]  }
0xeb: {  	v1 =	vadd.f32 v2, v1  }
0xec: {  	v2 =	vld [tilespmem:s19+$0xC380]  }
0xed: {  	v1 =	vadd.f32 v3, v1;
	_ =	sdelay $0x1  }
0xee: {  	v1 =	vadd.f32 v58, v1;
	_ =	sdelay $0x1  }
0xef: {  	v1 =	vadd.f32 v2, v1;
	_ =	sdelay $0x1  }
0xf0: {  	s17 =	simm.s32 $0x0;
	[tilespmem:s18+$0x0] =	vst v1  }
0xf1: {  	[tilespmem:s9], [sflag:$0x2] =	stream.linear.gather [hbm4b:s6+s17], $0x8000, $0x38;
	[tilespmem:$0x10800] =	vst v63  }
0xf2: {  	_ =	swait.ge [sflag:s10], $0x8000  }
0xf3: {  	s28 =	sand.u32 $0x70, s17;
	s29 =	sand.u32 $0x3C00, s17;
	[sflag:s10] =	ssyncset.done $0x0  }
0xf4: {  	s19 =	sor.u32 s28, s29;
	[sflag:s10] =	ssyncadd.s32 $0xFFFF8000  }
0xf5: {  	s18 =	simm.s32 $0x10000;
	v1 =	vld [tilespmem:s19+$0x0]  }
0xf6: {  	v2 =	vld [tilespmem:s18+$0x0];
	_ =	sdelay $0x1  }
0xf7: {  	v3 =	vld [tilespmem:s19+$0x80];
	_ =	sdelay $0x1  }
0xf8: {  	v59 =	vld [tilespmem:s19+$0x100]  }
0xf9: {  	v1 =	vadd.f32 v1, v2  }
0xfa: {  	v2 =	vld [tilespmem:s19+$0x180]  }
0xfb: {  	v1 =	vadd.f32 v3, v1  }
0xfc: {  	v3 =	vld [tilespmem:s19+$0x200]  }
0xfd: {  	v1 =	vadd.f32 v59, v1  }
0xfe: {  	s30 =	sand.u32 $0x7, s17;
	v60 =	vld [tilespmem:s19+$0x280]  }
0xff: {  	s20 =	sshll.u32 s30, $0x4;
	v1 =	vadd.f32 v2, v1  }
0x100: {  	s20 =	sadd.s32 $0x0, s20;
	v2 =	vld [tilespmem:s19+$0x300]  }
0x101: {  	s20 =	sor.u32 $0x380, s20;
	v1 =	vadd.f32 v3, v1  }
0x102: {  	v3 =	vld [tilespmem:s20+$0x0]  }
0x103: {  	v1 =	vadd.f32 v60, v1  }
0x104: {  	v61 =	vld [tilespmem:s19+$0x4000]  }
0x105: {  	v1 =	vadd.f32 v2, v1  }
0x106: {  	v2 =	vld [tilespmem:s19+$0x4080]  }
0x107: {  	v1 =	vadd.f32 v3, v1  }
0x108: {  	v3 =	vld [tilespmem:s19+$0x4100]  }
0x109: {  	v1 =	vadd.f32 v61, v1  }
0x10a: {  	v62 =	vld [tilespmem:s19+$0x4180]  }
0x10b: {  	v1 =	vadd.f32 v2, v1  }
0x10c: {  	v2 =	vld [tilespmem:s19+$0x4200]  }
0x10d: {  	v1 =	vadd.f32 v3, v1  }
0x10e: {  	v3 =	vld [tilespmem:s19+$0x4280]  }
0x10f: {  	v1 =	vadd.f32 v62, v1  }
0x110: {  	v63 =	vld [tilespmem:s19+$0x4300]  }
0x111: {  	v1 =	vadd.f32 v2, v1  }
0x112: {  	v2 =	vld [tilespmem:s19+$0x4380]  }
0x113: {  	v1 =	vadd.f32 v3, v1;
	_ =	sdelay $0x1  }
0x114: {  	v1 =	vadd.f32 v63, v1;
	_ =	sdelay $0x1  }
0x115: {  	s31 =	simm.s32 $0x10;
	s20 =	simm.s32 $0x80;
	v1 =	vadd.f32 v2, v1  }
0x116: {  	s21 =	sand.u32 $0x3C00, s20;
	s19 =	sand.u32 $0x70, s31  }
0x117: {  	s19 =	sor.u32 s19, s21;
	s21 =	simm.s32 $0x20;
	[tilespmem:s18+$0x0] =	vst v1  }
.LBB2_8:
0x118: {  	p0 =	sne.s32 s21, $0x7F0;
	v1 =	vld [tilespmem:s19+$0x0];
	s18 =	sadd.s32 $0x10, s18  }
0x119: {  	v2 =	vld [tilespmem:s18+$0x0];
	_ =	sdelay $0x1  }
0x11a: {  	v3 =	vld [tilespmem:s19+$0x80];
	_ =	sdelay $0x1  }
0x11b: {  	v4 =	vld [tilespmem:s19+$0x100]  }
0x11c: {  	v1 =	vadd.f32 v1, v2  }
0x11d: {  	v2 =	vld [tilespmem:s19+$0x180]  }
0x11e: {  	v1 =	vadd.f32 v3, v1  }
0x11f: {  	v3 =	vld [tilespmem:s19+$0x200]  }
0x120: {  	s17 =	sadd.s32 $0x1, s17;
	v1 =	vadd.f32 v4, v1  }
0x121: {  	s22 =	sand.u32 $0x7, s17;
	v4 =	vld [tilespmem:s19+$0x280]  }
0x122: {  	s22 =	sshll.u32 s22, $0x4;
	v1 =	vadd.f32 v2, v1  }
0x123: {  	s22 =	sadd.s32 s22, s20;
	v2 =	vld [tilespmem:s19+$0x300]  }
0x124: {  	s22 =	sor.u32 $0x380, s22;
	v1 =	vadd.f32 v3, v1  }
0x125: {  	v3 =	vld [tilespmem:s22+$0x0]  }
0x126: {  	v1 =	vadd.f32 v4, v1  }
0x127: {  	v4 =	vld [tilespmem:s19+$0x4000]  }
0x128: {  	v1 =	vadd.f32 v2, v1  }
0x129: {  	v2 =	vld [tilespmem:s19+$0x4080]  }
0x12a: {  	v1 =	vadd.f32 v3, v1  }
0x12b: {  	v3 =	vld [tilespmem:s19+$0x4100]  }
0x12c: {  	v1 =	vadd.f32 v4, v1  }
0x12d: {  	v4 =	vld [tilespmem:s19+$0x4180]  }
0x12e: {  	v1 =	vadd.f32 v2, v1  }
0x12f: {  	v2 =	vld [tilespmem:s19+$0x4200]  }
0x130: {  	v1 =	vadd.f32 v3, v1  }
0x131: {  	v3 =	vld [tilespmem:s19+$0x4280]  }
0x132: {  	v1 =	vadd.f32 v4, v1  }
0x133: {  	v4 =	vld [tilespmem:s19+$0x4300]  }
0x134: {  	v1 =	vadd.f32 v2, v1  }
0x135: {  	v2 =	vld [tilespmem:s19+$0x4380]  }
0x136: {  	v1 =	vadd.f32 v3, v1;
	_ =	sdelay $0x1  }
.Ltmp3:
0x137: {  	v1 =	vadd.f32 v4, v1;
	(pc) =	sbr.rel @p0 .LBB2_8-.Ltmp3, $4  }
0x138: {  	_ = 	snop  }
0x139: {  	s20 =	sadd.s32 $0x80, s20;
	v1 =	vadd.f32 v2, v1  }
0x13a: {  	s22 =	sand.u32 $0x3C00, s20;
	s19 =	sand.u32 $0x70, s21  }
0x13b: {  	s21 =	sadd.s32 $0x10, s21;
	s19 =	sor.u32 s19, s22;
	[tilespmem:s18+$0x0] =	vst v1  }
0x13c: {  	v1 =	vld [tilespmem:s19+$0x0];
	s18 =	sadd.s32 $0x10, s18  }
0x13d: {  	v2 =	vld [tilespmem:s18+$0x0];
	_ =	sdelay $0x1  }
0x13e: {  	v3 =	vld [tilespmem:s19+$0x80];
	_ =	sdelay $0x1  }
0x13f: {  	v4 =	vld [tilespmem:s19+$0x100]  }
0x140: {  	v1 =	vadd.f32 v1, v2  }
0x141: {  	v2 =	vld [tilespmem:s19+$0x180]  }
0x142: {  	v1 =	vadd.f32 v3, v1  }
0x143: {  	v3 =	vld [tilespmem:s19+$0x200]  }
0x144: {  	s17 =	sadd.s32 $0x1, s17;
	v1 =	vadd.f32 v4, v1  }
0x145: {  	v55 =	vld [tilespmem:s19+$0x280];
	s17 =	sand.u32 $0x7, s17  }
0x146: {  	s17 =	sshll.u32 s17, $0x4;
	v1 =	vadd.f32 v2, v1  }
0x147: {  	s17 =	sadd.s32 s17, s20;
	v2 =	vld [tilespmem:s19+$0x300]  }
0x148: {  	s17 =	sor.u32 $0x380, s17;
	v1 =	vadd.f32 v3, v1  }
0x149: {  	v3 =	vld [tilespmem:s17+$0x0]  }
0x14a: {  	v1 =	vadd.f32 v55, v1  }
0x14b: {  	v56 =	vld [tilespmem:s19+$0x4000]  }
0x14c: {  	v1 =	vadd.f32 v2, v1  }
0x14d: {  	v2 =	vld [tilespmem:s19+$0x4080]  }
0x14e: {  	v1 =	vadd.f32 v3, v1  }
0x14f: {  	v3 =	vld [tilespmem:s19+$0x4100]  }
0x150: {  	v1 =	vadd.f32 v56, v1  }
0x151: {  	v57 =	vld [tilespmem:s19+$0x4180]  }
0x152: {  	v1 =	vadd.f32 v2, v1  }
0x153: {  	v2 =	vld [tilespmem:s19+$0x4200]  }
0x154: {  	v1 =	vadd.f32 v3, v1  }
0x155: {  	v3 =	vld [tilespmem:s19+$0x4280]  }
0x156: {  	v1 =	vadd.f32 v57, v1  }
0x157: {  	v58 =	vld [tilespmem:s19+$0x4300]  }
0x158: {  	v1 =	vadd.f32 v2, v1  }
0x159: {  	v2 =	vld [tilespmem:s19+$0x4380]  }
0x15a: {  	v1 =	vadd.f32 v3, v1;
	_ =	sdelay $0x1  }
0x15b: {  	v1 =	vadd.f32 v58, v1;
	_ =	sdelay $0x1  }
0x15c: {  	v1 =	vadd.f32 v2, v1;
	_ =	sdelay $0x1  }
0x15d: {  	[tilespmem:s18+$0x0] =	vst v1  }
0x15e: {  	s17 =	simm.s32 $0x0;
	_ =	swait.ge [sflag:s11], $0x8000  }
0x15f: {  	s28 =	sand.u32 $0x70, s17;
	s29 =	sand.u32 $0x3C00, s17;
	[sflag:s11] =	ssyncset.done $0x0  }
0x160: {  	s19 =	sor.u32 s28, s29;
	[sflag:s11] =	ssyncadd.s32 $0xFFFF8000  }
0x161: {  	s18 =	simm.s32 $0x10000;
	v1 =	vld [tilespmem:s19+$0x8000]  }
0x162: {  	v2 =	vld [tilespmem:s18+$0x0];
	_ =	sdelay $0x1  }
0x163: {  	v3 =	vld [tilespmem:s19+$0x8080];
	_ =	sdelay $0x1  }
0x164: {  	v59 =	vld [tilespmem:s19+$0x8100]  }
0x165: {  	v1 =	vadd.f32 v1, v2  }
0x166: {  	v2 =	vld [tilespmem:s19+$0x8180]  }
0x167: {  	v1 =	vadd.f32 v3, v1  }
0x168: {  	v3 =	vld [tilespmem:s19+$0x8200]  }
0x169: {  	v1 =	vadd.f32 v59, v1  }
0x16a: {  	s30 =	sand.u32 $0x7, s17;
	v60 =	vld [tilespmem:s19+$0x8280]  }
0x16b: {  	s20 =	sshll.u32 s30, $0x4;
	v1 =	vadd.f32 v2, v1  }
0x16c: {  	s20 =	sadd.s32 $0x0, s20;
	v2 =	vld [tilespmem:s19+$0x8300]  }
0x16d: {  	s20 =	sor.u32 $0x380, s20;
	v1 =	vadd.f32 v3, v1  }
0x16e: {  	v3 =	vld [tilespmem:s20+$0x8000]  }
0x16f: {  	v1 =	vadd.f32 v60, v1  }
0x170: {  	v61 =	vld [tilespmem:s19+$0xC000]  }
0x171: {  	v1 =	vadd.f32 v2, v1  }
0x172: {  	v2 =	vld [tilespmem:s19+$0xC080]  }
0x173: {  	v1 =	vadd.f32 v3, v1  }
0x174: {  	v3 =	vld [tilespmem:s19+$0xC100]  }
0x175: {  	v1 =	vadd.f32 v61, v1  }
0x176: {  	v62 =	vld [tilespmem:s19+$0xC180]  }
0x177: {  	v1 =	vadd.f32 v2, v1  }
0x178: {  	v2 =	vld [tilespmem:s19+$0xC200]  }
0x179: {  	v1 =	vadd.f32 v3, v1  }
0x17a: {  	v3 =	vld [tilespmem:s19+$0xC280]  }
0x17b: {  	v1 =	vadd.f32 v62, v1  }
0x17c: {  	v63 =	vld [tilespmem:s19+$0xC300]  }
0x17d: {  	v1 =	vadd.f32 v2, v1  }
0x17e: {  	v2 =	vld [tilespmem:s19+$0xC380]  }
0x17f: {  	v1 =	vadd.f32 v3, v1;
	_ =	sdelay $0x1  }
0x180: {  	v1 =	vadd.f32 v63, v1;
	_ =	sdelay $0x1  }
0x181: {  	s31 =	simm.s32 $0x10;
	s20 =	simm.s32 $0x80;
	v1 =	vadd.f32 v2, v1  }
0x182: {  	s21 =	sand.u32 $0x3C00, s20;
	s19 =	sand.u32 $0x70, s31  }
0x183: {  	s19 =	sor.u32 s19, s21;
	s21 =	simm.s32 $0x20;
	[tilespmem:s18+$0x0] =	vst v1  }
.LBB2_10:
0x184: {  	p0 =	sne.s32 s21, $0x7F0;
	v1 =	vld [tilespmem:s19+$0x8000];
	s18 =	sadd.s32 $0x10, s18  }
0x185: {  	v2 =	vld [tilespmem:s18+$0x0];
	_ =	sdelay $0x1  }
0x186: {  	v3 =	vld [tilespmem:s19+$0x8080];
	_ =	sdelay $0x1  }
0x187: {  	v4 =	vld [tilespmem:s19+$0x8100]  }
0x188: {  	v1 =	vadd.f32 v1, v2  }
0x189: {  	v2 =	vld [tilespmem:s19+$0x8180]  }
0x18a: {  	v1 =	vadd.f32 v3, v1  }
0x18b: {  	v3 =	vld [tilespmem:s19+$0x8200]  }
0x18c: {  	s17 =	sadd.s32 $0x1, s17;
	v1 =	vadd.f32 v4, v1  }
0x18d: {  	s22 =	sand.u32 $0x7, s17;
	v4 =	vld [tilespmem:s19+$0x8280]  }
0x18e: {  	s22 =	sshll.u32 s22, $0x4;
	v1 =	vadd.f32 v2, v1  }
0x18f: {  	s22 =	sadd.s32 s22, s20;
	v2 =	vld [tilespmem:s19+$0x8300]  }
0x190: {  	s22 =	sor.u32 $0x380, s22;
	v1 =	vadd.f32 v3, v1  }
0x191: {  	v3 =	vld [tilespmem:s22+$0x8000]  }
0x192: {  	v1 =	vadd.f32 v4, v1  }
0x193: {  	v4 =	vld [tilespmem:s19+$0xC000]  }
0x194: {  	v1 =	vadd.f32 v2, v1  }
0x195: {  	v2 =	vld [tilespmem:s19+$0xC080]  }
0x196: {  	v1 =	vadd.f32 v3, v1  }
0x197: {  	v3 =	vld [tilespmem:s19+$0xC100]  }
0x198: {  	v1 =	vadd.f32 v4, v1  }
0x199: {  	v4 =	vld [tilespmem:s19+$0xC180]  }
0x19a: {  	v1 =	vadd.f32 v2, v1  }
0x19b: {  	v2 =	vld [tilespmem:s19+$0xC200]  }
0x19c: {  	v1 =	vadd.f32 v3, v1  }
0x19d: {  	v3 =	vld [tilespmem:s19+$0xC280]  }
0x19e: {  	v1 =	vadd.f32 v4, v1  }
0x19f: {  	v4 =	vld [tilespmem:s19+$0xC300]  }
0x1a0: {  	v1 =	vadd.f32 v2, v1  }
0x1a1: {  	v2 =	vld [tilespmem:s19+$0xC380]  }
0x1a2: {  	v1 =	vadd.f32 v3, v1;
	_ =	sdelay $0x1  }
.Ltmp4:
0x1a3: {  	v1 =	vadd.f32 v4, v1;
	(pc) =	sbr.rel @p0 .LBB2_10-.Ltmp4, $4  }
0x1a4: {  	_ = 	snop  }
0x1a5: {  	s20 =	sadd.s32 $0x80, s20;
	v1 =	vadd.f32 v2, v1  }
0x1a6: {  	s22 =	sand.u32 $0x3C00, s20;
	s19 =	sand.u32 $0x70, s21  }
0x1a7: {  	s21 =	sadd.s32 $0x10, s21;
	s19 =	sor.u32 s19, s22;
	[tilespmem:s18+$0x0] =	vst v1  }
0x1a8: {  	v1 =	vld [tilespmem:s19+$0x8000];
	s18 =	sadd.s32 $0x10, s18  }
0x1a9: {  	v2 =	vld [tilespmem:s18+$0x0];
	_ =	sdelay $0x1  }
0x1aa: {  	v3 =	vld [tilespmem:s19+$0x8080];
	_ =	sdelay $0x1  }
0x1ab: {  	v4 =	vld [tilespmem:s19+$0x8100]  }
0x1ac: {  	v1 =	vadd.f32 v1, v2  }
0x1ad: {  	v2 =	vld [tilespmem:s19+$0x8180]  }
0x1ae: {  	v1 =	vadd.f32 v3, v1  }
0x1af: {  	v3 =	vld [tilespmem:s19+$0x8200]  }
0x1b0: {  	s17 =	sadd.s32 $0x1, s17;
	v1 =	vadd.f32 v4, v1  }
0x1b1: {  	v60 =	vld [tilespmem:s19+$0x8280];
	s17 =	sand.u32 $0x7, s17  }
0x1b2: {  	s17 =	sshll.u32 s17, $0x4;
	v1 =	vadd.f32 v2, v1  }
0x1b3: {  	s17 =	sadd.s32 s17, s20;
	v2 =	vld [tilespmem:s19+$0x8300]  }
0x1b4: {  	s17 =	sor.u32 $0x380, s17;
	v1 =	vadd.f32 v3, v1  }
0x1b5: {  	v3 =	vld [tilespmem:s17+$0x8000]  }
0x1b6: {  	v1 =	vadd.f32 v60, v1  }
0x1b7: {  	v61 =	vld [tilespmem:s19+$0xC000]  }
0x1b8: {  	v1 =	vadd.f32 v2, v1  }
0x1b9: {  	v2 =	vld [tilespmem:s19+$0xC080]  }
0x1ba: {  	v1 =	vadd.f32 v3, v1  }
0x1bb: {  	v3 =	vld [tilespmem:s19+$0xC100]  }
0x1bc: {  	v1 =	vadd.f32 v61, v1  }
0x1bd: {  	v62 =	vld [tilespmem:s19+$0xC180]  }
0x1be: {  	v1 =	vadd.f32 v2, v1  }
0x1bf: {  	v2 =	vld [tilespmem:s19+$0xC200]  }
0x1c0: {  	v1 =	vadd.f32 v3, v1  }
0x1c1: {  	v3 =	vld [tilespmem:s19+$0xC280]  }
0x1c2: {  	v1 =	vadd.f32 v62, v1  }
0x1c3: {  	v63 =	vld [tilespmem:s19+$0xC300]  }
0x1c4: {  	v1 =	vadd.f32 v2, v1  }
0x1c5: {  	v2 =	vld [tilespmem:s19+$0xC380]  }
0x1c6: {  	v1 =	vadd.f32 v3, v1;
	_ =	sdelay $0x1  }
0x1c7: {  	v1 =	vadd.f32 v63, v1;
	_ =	sdelay $0x1  }
0x1c8: {  	s16 =	sadd.s32 $0x1, s16;
	v1 =	vadd.f32 v2, v1  }
0x1c9: {  	p0 =	sne.s32 s16, s8  }
.Ltmp5:
0x1ca: {  	[tilespmem:s18+$0x0] =	vst v1;
	(pc) =	sbr.rel @p0 .LBB2_1-.Ltmp5, $4  }
0x1cb: {  	[hbm4b:s7+s12] =	stream.strided.scatter [tilespmem:s14], [sflag:$0x3], $0x800, s13, s12, $0x38;
	[tilespmem:$0x10800] =	vst v63  }
0x1cc: {  	_ =	swait.ge [sflag:s15], $0x800  }
0x1cd: {  	[sflag:s15] =	ssyncset.done $0x0  }
0x1ce: {  	[sflag:s15] =	ssyncadd.s32 $0xFFFFF800  }
0x1cf: {  	_ =	sfence.sel $0x180000  }
0x1d0: {  	[bflag:$0x0] =	sbarrier.arrive $0xFFFF  }
0x1d1: {  	p0 =	sne.s32 s1, $0x0;
	_ =	strace $0x90000047  }
0x1d2: {  	s0 =	sadd.s32 @!p0 $0x100000, s0;
	[bflag:$0x2] =	sbarrier.arrive $0xFFFF  }
0x1d3: {  	[sflag:s0] =	ssyncadd.tile.s32 @!p0 $0x1;
	_ =	shalt  }
.Lfunc_end2:
_tile_overlayer_lowered:
.L_overlay_start_2:
0x1d4: {  	(tag) =	ssettag $0x2  }
0x1d5: {  	s0 =	rddreg [dreg:$0x0];
	s2 =	stileid.u32  }
0x1d6: {  	s1 =	rddreg [dreg:$0x1];
	p0 =	sne.s32 s2, $0x0  }
0x1d7: {  	s3 =	rddreg [dreg:$0x2];
	[bflag:$0x3] =	sbarrier.arrive $0xFFFF;
	s2 =	simm.s32 @!p0 $0x1C03  }
0x1d8: {  	[timem:s3], [sflag:s2] =	dma.local @!p0 [hbm:s0], s1  }
0x1d9: {  	s0 =	simm.s32 @!p0 $0x3  }
0x1da: {  	_ =	swait.ge @!p0 [sflag:s0], s1  }
0x1db: {  	s1 =	ssub.s32 @!p0 $0x0, s1;
	[sflag:s0] =	ssyncset.done @!p0 $0x0  }
0x1dc: {  	[sflag:s0] =	ssyncadd.s32 @!p0 s1  }
0x1dd: {  	[bflag:$0x3] =	sbarrier.arrive $0xFFFF  }
0x1de: {  	_ =	shalt  }

</sc_bundles>
